<compile_context>
chip_gen: v7x
topology: tpu7x:2x2x1
jax: 0.10.2.dev20260603
libtpu: 0.0.44.dev20260713+nightly
codegen_flags: <defaults>
</compile_context>

<pallas_src>
import functools

import jax
import jax.numpy as jnp
from jax import lax
from jax.experimental import pallas as pl
from jax.experimental.pallas import tpu as pltpu
from jax.experimental.pallas import tpu_sc as plsc

_NC = 2
_NS = 16
_L = 16

_SC_PARAMS = pltpu.CompilerParams(needs_layout_passes=False)


def _edge_agg(x, src, dst):
    N, D = x.shape
    E = src.shape[0]
    CH = 128
    n_chunks = E // CH
    assert n_chunks * CH == E
    nw = _NC * _NS
    base_full = n_chunks // nw
    rem = n_chunks - base_full * nw
    RPS = 624
    TAIL = N - RPS * (_NS - 1)
    ZB = 208
    assert RPS % ZB == 0 and (TAIL - RPS) % 8 == 0

    mesh = plsc.VectorSubcoreMesh(core_axis_name="c", subcore_axis_name="s")

    @functools.partial(
        pl.kernel,
        out_type=jax.ShapeDtypeStruct((_NC, N, D), jnp.float32),
        mesh=mesh,
        scratch_types=[
            pltpu.VMEM((1, CH), jnp.int32),
            pltpu.VMEM((1, CH), jnp.int32),
            pltpu.VMEM((CH, D), jnp.float32),
            pltpu.VMEM((ZB, D), jnp.float32),
            pltpu.VMEM_SHARED((N, D), jnp.float32),
        ],
        compiler_params=_SC_PARAMS,
    )
    def k(x_hbm, src_hbm, dst_hbm, out_hbm, sidx, didx, rows, zbuf, agg):
        cid = lax.axis_index("c")
        sid = lax.axis_index("s")
        gwid = cid * _NS + sid

        @pl.loop(0, ZB)
        def _(i):
            for j in range(D // _L):
                zbuf[i, pl.ds(j * _L, _L)] = jnp.zeros((_L,), jnp.float32)

        for kz in range(RPS // ZB):
            pltpu.sync_copy(zbuf, agg.at[pl.ds(sid * RPS + kz * ZB, ZB)])

        @pl.when(sid == _NS - 1)
        def _():
            pltpu.sync_copy(zbuf.at[pl.ds(0, TAIL - RPS)],
                            agg.at[pl.ds(_NS * RPS, TAIL - RPS)])
        plsc.subcore_barrier()

        base = base_full * gwid + jnp.minimum(gwid, rem)

        def do_chunk(g):
            off = g * CH
            pltpu.sync_copy(src_hbm.at[pl.ds(off, CH)], sidx.at[0])
            pltpu.sync_copy(dst_hbm.at[pl.ds(off, CH)], didx.at[0])
            pltpu.sync_copy(x_hbm.at[sidx.at[0]], rows)
            pltpu.sync_copy(rows, agg.at[didx.at[0]], add=True)

        @pl.loop(0, base_full)
        def _(c):
            do_chunk(base + c)

        @pl.when(gwid < rem)
        def _():
            do_chunk(base + base_full)

        plsc.subcore_barrier()
        for kz in range(RPS // ZB):
            sl = pl.ds(sid * RPS + kz * ZB, ZB)
            pltpu.sync_copy(agg.at[sl], out_hbm.at[cid].at[sl])

        @pl.when(sid == _NS - 1)
        def _():
            sl = pl.ds(_NS * RPS, TAIL - RPS)
            pltpu.sync_copy(agg.at[sl], out_hbm.at[cid].at[sl])

    return k(x, src, dst)


def _node_update(parts, x, W_msg, W_self, b_gnn2d):
    N, D = x.shape
    BLK = 1000

    def body(p_ref, x_ref, wm_ref, ws_ref, b_ref, o_ref):
        agg = p_ref[0] + p_ref[1]
        acc = jnp.dot(agg, wm_ref[...], preferred_element_type=jnp.float32)
        acc = acc + jnp.dot(x_ref[...], ws_ref[...],
                            preferred_element_type=jnp.float32)
        o_ref[...] = jnp.maximum(acc + b_ref[...], 0.0)

    return pl.pallas_call(
        body,
        grid=(N // BLK,),
        in_specs=[
            pl.BlockSpec((_NC, BLK, D), lambda i: (0, i, 0)),
            pl.BlockSpec((BLK, D), lambda i: (i, 0)),
            pl.BlockSpec((D, D), lambda i: (0, 0)),
            pl.BlockSpec((D, D), lambda i: (0, 0)),
            pl.BlockSpec((1, D), lambda i: (0, 0)),
        ],
        out_specs=pl.BlockSpec((BLK, D), lambda i: (i, 0)),
        out_shape=jax.ShapeDtypeStruct((N, D), jnp.float32),
    )(parts, x, W_msg, W_self, b_gnn2d)


def _token_sum(h, ids_flat, lengths, T):
    N, D = h.shape
    B = lengths.shape[0]
    nw = _NC * _NS
    TH = T // 2
    W = 128
    nblk = TH // W
    assert B * 2 == nw and nblk * W == TH

    mesh = plsc.VectorSubcoreMesh(core_axis_name="c", subcore_axis_name="s")

    @functools.partial(
        pl.kernel,
        out_type=jax.ShapeDtypeStruct((nw * D,), jnp.float32),
        mesh=mesh,
        scratch_types=[
            pltpu.VMEM((1, W), jnp.int32),
            pltpu.VMEM((W, D), jnp.float32),
            pltpu.VMEM((1, D), jnp.float32),
            pltpu.VMEM((1, B), jnp.int32),
        ],
        compiler_params=_SC_PARAMS,
    )
    def k(h_hbm, ids_hbm, len_hbm, out_hbm, idx, rows, accbuf, len_v):
        cid = lax.axis_index("c")
        sid = lax.axis_index("s")
        gwid = cid * _NS + sid
        b = gwid // 2
        t0 = (gwid % 2) * TH
        pltpu.sync_copy(len_hbm, len_v.at[0])
        lane = lax.iota(jnp.int32, _L)
        lb = jnp.sum(jnp.where(lane == b, len_v[0, pl.ds(0, _L)], 0))
        cnt = jnp.clip(lb - 1 - t0, 0, TH)

        for j in range(D // _L):
            accbuf[0, pl.ds(j * _L, _L)] = jnp.zeros((_L,), jnp.float32)

        for blk in range(nblk):
            @pl.when(cnt > blk * W)
            def _():
                pltpu.sync_copy(ids_hbm.at[pl.ds(b * T + t0 + blk * W, W)],
                                idx.at[0])
                pltpu.sync_copy(h_hbm.at[idx.at[0]], rows)

                @pl.loop(0, W)
                def _(t):
                    @pl.when(blk * W + t < cnt)
                    def _():
                        for j in range(D // _L):
                            sl = pl.ds(j * _L, _L)
                            accbuf[0, sl] = accbuf[0, sl] + rows[t, sl]

        pltpu.sync_copy(accbuf.at[0], out_hbm.at[pl.ds(gwid * D, D)])

    return k(h, ids_flat, lengths)


def _head(parts, W1, b1_2d, W2, b2_2d):
    B = parts.shape[0]
    D = parts.shape[2]
    O = W2.shape[1]

    def body(p_ref, w1_ref, b1_ref, w2_ref, b2_ref, o_ref):
        summed = p_ref[:, 0, :] + p_ref[:, 1, :]
        hid = jnp.maximum(
            jnp.dot(summed, w1_ref[...], preferred_element_type=jnp.float32)
            + b1_ref[...], 0.0)
        o_ref[...] = (jnp.dot(hid, w2_ref[...],
                              preferred_element_type=jnp.float32)
                      + b2_ref[...])

    return pl.pallas_call(
        body,
        out_shape=jax.ShapeDtypeStruct((B, O), jnp.float32),
    )(parts, W1, b1_2d, W2, b2_2d)


def kernel(x, edge_index, symbol_ids, lengths, W_msg, W_self, b_gnn,
           W1, b1, W2, b2):
    src = edge_index[0]
    dst = edge_index[1]
    parts = _edge_agg(x, src, dst)
    h = _node_update(parts, x, W_msg, W_self, b_gnn.reshape(1, -1))
    T = symbol_ids.shape[0]
    ids_flat = symbol_ids.T.reshape(-1)
    pooled = _token_sum(h, ids_flat, lengths, T)
    pooled = pooled.reshape(lengths.shape[0], 2, x.shape[1])
    return _head(pooled, W1, b1.reshape(1, -1), W2, b2.reshape(1, -1))

# --- scband reference (transcript-rebuilt; emitter-appended) ---
"""Pipeline reference for scband-sum-embed-map-encoder-net-83811991814275 (READ-ONLY COPY).

The authoritative reference and input builder live on the scoring server;
editing this copy changes nothing except your own understanding.
"""

import jax, jax.numpy as jnp
import numpy as np

N = 10000   # number of symbol nodes
E = 320000  # number of edges (avg_degree=32)
D = 128     # d_feat / gnn channels
H = 256     # mlp hidden
O = 128     # mlp out
T = 512     # max seq len
B = 16      # batch


def setup_inputs(seed: int = 0) -> dict:
    key = jax.random.key(seed)
    ks = jax.random.split(key, 12)
    x = jax.random.normal(ks[0], (N, D), dtype=jnp.float32)
    edge_index = jax.random.randint(ks[1], (2, E), 0, N, dtype=jnp.int32)
    symbol_ids = jax.random.randint(ks[2], (T, B), 0, N, dtype=jnp.int32)
    # lengths in [2, T]: remove_last_from_packed_seq drops one token, leaving >= 1
    lengths = jax.random.randint(ks[3], (B,), 2, T + 1, dtype=jnp.int32)
    # GNN embedder params (single message-passing layer, sum aggregation)
    W_msg = jax.random.normal(ks[4], (D, D), dtype=jnp.float32) * (1.0 / np.sqrt(D))
    W_self = jax.random.normal(ks[5], (D, D), dtype=jnp.float32) * (1.0 / np.sqrt(D))
    b_gnn = jnp.zeros((D,), dtype=jnp.float32)
    # MLP params (Linear -> ReLU -> Linear)
    W1 = jax.random.normal(ks[6], (D, H), dtype=jnp.float32) * (1.0 / np.sqrt(D))
    b1 = jnp.zeros((H,), dtype=jnp.float32)
    W2 = jax.random.normal(ks[7], (H, O), dtype=jnp.float32) * (1.0 / np.sqrt(H))
    b2 = jnp.zeros((O,), dtype=jnp.float32)
    return {"x": x, "edge_index": edge_index, "symbol_ids": symbol_ids,
            "lengths": lengths, "W_msg": W_msg, "W_self": W_self, "b_gnn": b_gnn,
            "W1": W1, "b1": b1, "W2": W2, "b2": b2}


def reference(x, edge_index, symbol_ids, lengths, W_msg, W_self, b_gnn, W1, b1, W2, b2):
    # --- SymbolGNNEmbedder: message passing over the shared symbol graph ---
    src = edge_index[0]
    dst = edge_index[1]
    msgs = jnp.take(x, src, axis=0) @ W_msg            # gather + transform  [E, D]
    agg = jax.ops.segment_sum(msgs, dst, num_segments=N)  # scatter-add      [N, D]
    h = jax.nn.relu(agg + x @ W_self + b_gnn)           # node embeddings    [N, D]
    # --- forward_on_packed_sequence: embed each symbol in every sequence ---
    emb = jnp.take(h, symbol_ids, axis=0)               # gather             [T, B, D]
    # --- remove_last_from_packed_seq: drop final element of each sequence ---
    eff_len = lengths - 1                               # [B]
    # --- pad_packed_sequence(padding_value=0.0) + sum over time dim 0 ---
    mask = (jnp.arange(T)[:, None] < eff_len[None, :]).astype(emb.dtype)  # [T, B]
    summed = jnp.sum(emb * mask[:, :, None], axis=0)    # [B, D]
    # --- MLP head ---
    hidden = jax.nn.relu(summed @ W1 + b1)
    mapped = hidden @ W2 + b2                           # [B, O]
    return mapped

if __name__ == "__main__":
    import jax
    _d = setup_inputs()
    print(jax.jit(kernel)(*tuple(_d.values())))

</pallas_src>

<mosaic_0001>
#map = affine_map<(d0, d1) -> (0, 0)>
#map1 = affine_map<(d0, d1) -> (0)>
#map2 = affine_map<(d0, d1) -> (0, 0, 0)>
module attributes {stable_mosaic.version = 14 : i64} {
  func.func @k(%arg0: i32, %arg1: i32, %arg2: memref<10000x128xf32, #tpu.memory_space<hbm>>, %arg3: memref<320000xi32, #tpu.memory_space<hbm>>, %arg4: memref<320000xi32, #tpu.memory_space<hbm>>, %arg5: memref<2x10000x128xf32, #tpu.memory_space<hbm>>, %arg6: memref<1x128xi32, #tpu.memory_space<vmem>>, %arg7: memref<1x128xi32, #tpu.memory_space<vmem>>, %arg8: memref<128x128xf32, #tpu.memory_space<vmem>>, %arg9: memref<208x128xf32, #tpu.memory_space<vmem>>, %arg10: memref<10000x128xf32, #tpu.memory_space<vmem_shared>>) attributes {dimension_semantics = [#tpu.dimension_semantics<core_parallel>, #tpu.dimension_semantics<subcore_parallel>], iteration_bounds = array<i64: 2, 16>, scalar_prefetch = 0 : i64, scratch_operands = 5 : i64, tpu.core_type = #tpu.core_type<sc_vector_subcore>, window_params = [{transform_indices = #map}, {transform_indices = #map1}, {transform_indices = #map1}, {transform_indices = #map2}]} {
    %mul3A = arith.constant 16 : i32
    %mul3A_0 = arith.muli %arg0, %mul3A : i32
    %add3A = arith.addi %mul3A_0, %arg1 : i32
    %scan3A = arith.constant 0 : i32
    %scan3A_1 = arith.constant 208 : i32
    %scan3A_2 = arith.addi %scan3A, %scan3A_1 : i32
    %scan3A_3 = arith.constant 1 : i32
    scf.for %scan3A_50 = %scan3A to %scan3A_2 step %scan3A_3  : i32 {
      %mul3A_51 = arith.constant 1 : i32
      %mul3A_52 = arith.muli %scan3A_50, %mul3A_51 : i32
      %add3A_53 = arith.constant 0 : i32
      %add3A_54 = arith.addi %add3A_53, %mul3A_52 : i32
      %broadcast_in_dim3A = arith.constant 0.000000e+00 : f32
      %broadcast_in_dim3A_55 = vector.broadcast %broadcast_in_dim3A : f32 to vector<16xf32>
      %swap3A = arith.index_cast %add3A_54 : i32 to index
      %swap3A_56 = arith.constant 0 : index
      %swap3A_57 = tpu.vector_load %arg9[%swap3A, %swap3A_56] {strides = array<i32>} : memref<208x128xf32, #tpu.memory_space<vmem>>, vector<16xf32>,
      tpu.vector_store %arg9[%swap3A, %swap3A_56], %broadcast_in_dim3A_55 {strides = array<i32>} : memref<208x128xf32, #tpu.memory_space<vmem>>, vector<16xf32>,
      %broadcast_in_dim3A_58 = arith.constant 0.000000e+00 : f32
      %broadcast_in_dim3A_59 = vector.broadcast %broadcast_in_dim3A_58 : f32 to vector<16xf32>
      %swap3A_60 = arith.index_cast %add3A_54 : i32 to index
      %swap3A_61 = arith.constant 16 : index
      %swap3A_62 = tpu.vector_load %arg9[%swap3A_60, %swap3A_61] {strides = array<i32>} : memref<208x128xf32, #tpu.memory_space<vmem>>, vector<16xf32>,
      tpu.vector_store %arg9[%swap3A_60, %swap3A_61], %broadcast_in_dim3A_59 {strides = array<i32>} : memref<208x128xf32, #tpu.memory_space<vmem>>, vector<16xf32>,
      %broadcast_in_dim3A_63 = arith.constant 0.000000e+00 : f32
      %broadcast_in_dim3A_64 = vector.broadcast %broadcast_in_dim3A_63 : f32 to vector<16xf32>
      %swap3A_65 = arith.index_cast %add3A_54 : i32 to index
      %swap3A_66 = arith.constant 32 : index
      %swap3A_67 = tpu.vector_load %arg9[%swap3A_65, %swap3A_66] {strides = array<i32>} : memref<208x128xf32, #tpu.memory_space<vmem>>, vector<16xf32>,
      tpu.vector_store %arg9[%swap3A_65, %swap3A_66], %broadcast_in_dim3A_64 {strides = array<i32>} : memref<208x128xf32, #tpu.memory_space<vmem>>, vector<16xf32>,
      %broadcast_in_dim3A_68 = arith.constant 0.000000e+00 : f32
      %broadcast_in_dim3A_69 = vector.broadcast %broadcast_in_dim3A_68 : f32 to vector<16xf32>
      %swap3A_70 = arith.index_cast %add3A_54 : i32 to index
      %swap3A_71 = arith.constant 48 : index
      %swap3A_72 = tpu.vector_load %arg9[%swap3A_70, %swap3A_71] {strides = array<i32>} : memref<208x128xf32, #tpu.memory_space<vmem>>, vector<16xf32>,
      tpu.vector_store %arg9[%swap3A_70, %swap3A_71], %broadcast_in_dim3A_69 {strides = array<i32>} : memref<208x128xf32, #tpu.memory_space<vmem>>, vector<16xf32>,
      %broadcast_in_dim3A_73 = arith.constant 0.000000e+00 : f32
      %broadcast_in_dim3A_74 = vector.broadcast %broadcast_in_dim3A_73 : f32 to vector<16xf32>
      %swap3A_75 = arith.index_cast %add3A_54 : i32 to index
      %swap3A_76 = arith.constant 64 : index
      %swap3A_77 = tpu.vector_load %arg9[%swap3A_75, %swap3A_76] {strides = array<i32>} : memref<208x128xf32, #tpu.memory_space<vmem>>, vector<16xf32>,
      tpu.vector_store %arg9[%swap3A_75, %swap3A_76], %broadcast_in_dim3A_74 {strides = array<i32>} : memref<208x128xf32, #tpu.memory_space<vmem>>, vector<16xf32>,
      %broadcast_in_dim3A_78 = arith.constant 0.000000e+00 : f32
      %broadcast_in_dim3A_79 = vector.broadcast %broadcast_in_dim3A_78 : f32 to vector<16xf32>
      %swap3A_80 = arith.index_cast %add3A_54 : i32 to index
      %swap3A_81 = arith.constant 80 : index
      %swap3A_82 = tpu.vector_load %arg9[%swap3A_80, %swap3A_81] {strides = array<i32>} : memref<208x128xf32, #tpu.memory_space<vmem>>, vector<16xf32>,
      tpu.vector_store %arg9[%swap3A_80, %swap3A_81], %broadcast_in_dim3A_79 {strides = array<i32>} : memref<208x128xf32, #tpu.memory_space<vmem>>, vector<16xf32>,
      %broadcast_in_dim3A_83 = arith.constant 0.000000e+00 : f32
      %broadcast_in_dim3A_84 = vector.broadcast %broadcast_in_dim3A_83 : f32 to vector<16xf32>
      %swap3A_85 = arith.index_cast %add3A_54 : i32 to index
      %swap3A_86 = arith.constant 96 : index
      %swap3A_87 = tpu.vector_load %arg9[%swap3A_85, %swap3A_86] {strides = array<i32>} : memref<208x128xf32, #tpu.memory_space<vmem>>, vector<16xf32>,
      tpu.vector_store %arg9[%swap3A_85, %swap3A_86], %broadcast_in_dim3A_84 {strides = array<i32>} : memref<208x128xf32, #tpu.memory_space<vmem>>, vector<16xf32>,
      %broadcast_in_dim3A_88 = arith.constant 0.000000e+00 : f32
      %broadcast_in_dim3A_89 = vector.broadcast %broadcast_in_dim3A_88 : f32 to vector<16xf32>
      %swap3A_90 = arith.index_cast %add3A_54 : i32 to index
      %swap3A_91 = arith.constant 112 : index
      %swap3A_92 = tpu.vector_load %arg9[%swap3A_90, %swap3A_91] {strides = array<i32>} : memref<208x128xf32, #tpu.memory_space<vmem>>, vector<16xf32>,
      tpu.vector_store %arg9[%swap3A_90, %swap3A_91], %broadcast_in_dim3A_89 {strides = array<i32>} : memref<208x128xf32, #tpu.memory_space<vmem>>, vector<16xf32>,
    }
    %scan3A_4 = arith.constant 208 : i32
    %mul3A_5 = arith.constant 624 : i32
    %mul3A_6 = arith.muli %arg1, %mul3A_5 : i32
    %add3A_7 = arith.constant 0 : i32
    %add3A_8 = arith.addi %mul3A_6, %add3A_7 : i32
    "tpu.region"() ({
      %run_scoped3A = tpu.sem_alloc : memref<!tpu.dma_semaphore, #tpu.memory_space<semaphore_mem>>
      %dma_start3A = arith.constant 0 : i32
      %dma_start3A_50 = tpu.memref_slice %arg10[%add3A_8, %dma_start3A] : memref<10000x128xf32, #tpu.memory_space<vmem_shared>> -> memref<208x128xf32, #tpu.memory_space<vmem_shared>>
      %dma_start3A_51 = arith.constant 0 : i32
      %dma_start3A_52 = tpu.memref_slice %arg10[%add3A_8, %dma_start3A_51] : memref<10000x128xf32, #tpu.memory_space<vmem_shared>> -> memref<208x128xf32, #tpu.memory_space<vmem_shared>>
      tpu.enqueue_dma source(%arg9 : memref<208x128xf32, #tpu.memory_space<vmem>>) target(%dma_start3A_52 : memref<208x128xf32, #tpu.memory_space<vmem_shared>>) target_semaphore(%run_scoped3A : memref<!tpu.dma_semaphore, #tpu.memory_space<semaphore_mem>>)
      %dma_wait3A = arith.constant 0 : i32
      %dma_wait3A_53 = tpu.memref_slice %arg10[%add3A_8, %dma_wait3A] : memref<10000x128xf32, #tpu.memory_space<vmem_shared>> -> memref<208x128xf32, #tpu.memory_space<vmem_shared>>
      %dma_wait3A_54 = arith.constant 0 : i32
      %dma_wait3A_55 = tpu.memref_slice %arg10[%add3A_8, %dma_wait3A_54] : memref<10000x128xf32, #tpu.memory_space<vmem_shared>> -> memref<208x128xf32, #tpu.memory_space<vmem_shared>>
      tpu.wait_dma2 semaphore(%run_scoped3A : memref<!tpu.dma_semaphore, #tpu.memory_space<semaphore_mem>>) src(%arg9 : memref<208x128xf32, #tpu.memory_space<vmem>>) dst(%dma_wait3A_55 : memref<208x128xf32, #tpu.memory_space<vmem_shared>>)
      tpu.yield
    }) : () -> ()
    %mul3A_9 = arith.constant 624 : i32
    %mul3A_10 = arith.muli %arg1, %mul3A_9 : i32
    %add3A_11 = arith.constant 208 : i32
    %add3A_12 = arith.addi %mul3A_10, %add3A_11 : i32
    "tpu.region"() ({
      %run_scoped3A = tpu.sem_alloc : memref<!tpu.dma_semaphore, #tpu.memory_space<semaphore_mem>>
      %dma_start3A = arith.constant 0 : i32
      %dma_start3A_50 = tpu.memref_slice %arg10[%add3A_12, %dma_start3A] : memref<10000x128xf32, #tpu.memory_space<vmem_shared>> -> memref<208x128xf32, #tpu.memory_space<vmem_shared>>
      %dma_start3A_51 = arith.constant 0 : i32
      %dma_start3A_52 = tpu.memref_slice %arg10[%add3A_12, %dma_start3A_51] : memref<10000x128xf32, #tpu.memory_space<vmem_shared>> -> memref<208x128xf32, #tpu.memory_space<vmem_shared>>
      tpu.enqueue_dma source(%arg9 : memref<208x128xf32, #tpu.memory_space<vmem>>) target(%dma_start3A_52 : memref<208x128xf32, #tpu.memory_space<vmem_shared>>) target_semaphore(%run_scoped3A : memref<!tpu.dma_semaphore, #tpu.memory_space<semaphore_mem>>)
      %dma_wait3A = arith.constant 0 : i32
      %dma_wait3A_53 = tpu.memref_slice %arg10[%add3A_12, %dma_wait3A] : memref<10000x128xf32, #tpu.memory_space<vmem_shared>> -> memref<208x128xf32, #tpu.memory_space<vmem_shared>>
      %dma_wait3A_54 = arith.constant 0 : i32
      %dma_wait3A_55 = tpu.memref_slice %arg10[%add3A_12, %dma_wait3A_54] : memref<10000x128xf32, #tpu.memory_space<vmem_shared>> -> memref<208x128xf32, #tpu.memory_space<vmem_shared>>
      tpu.wait_dma2 semaphore(%run_scoped3A : memref<!tpu.dma_semaphore, #tpu.memory_space<semaphore_mem>>) src(%arg9 : memref<208x128xf32, #tpu.memory_space<vmem>>) dst(%dma_wait3A_55 : memref<208x128xf32, #tpu.memory_space<vmem_shared>>)
      tpu.yield
    }) : () -> ()
    %mul3A_13 = arith.constant 624 : i32
    %mul3A_14 = arith.muli %arg1, %mul3A_13 : i32
    %add3A_15 = arith.constant 416 : i32
    %add3A_16 = arith.addi %mul3A_14, %add3A_15 : i32
    "tpu.region"() ({
      %run_scoped3A = tpu.sem_alloc : memref<!tpu.dma_semaphore, #tpu.memory_space<semaphore_mem>>
      %dma_start3A = arith.constant 0 : i32
      %dma_start3A_50 = tpu.memref_slice %arg10[%add3A_16, %dma_start3A] : memref<10000x128xf32, #tpu.memory_space<vmem_shared>> -> memref<208x128xf32, #tpu.memory_space<vmem_shared>>
      %dma_start3A_51 = arith.constant 0 : i32
      %dma_start3A_52 = tpu.memref_slice %arg10[%add3A_16, %dma_start3A_51] : memref<10000x128xf32, #tpu.memory_space<vmem_shared>> -> memref<208x128xf32, #tpu.memory_space<vmem_shared>>
      tpu.enqueue_dma source(%arg9 : memref<208x128xf32, #tpu.memory_space<vmem>>) target(%dma_start3A_52 : memref<208x128xf32, #tpu.memory_space<vmem_shared>>) target_semaphore(%run_scoped3A : memref<!tpu.dma_semaphore, #tpu.memory_space<semaphore_mem>>)
      %dma_wait3A = arith.constant 0 : i32
      %dma_wait3A_53 = tpu.memref_slice %arg10[%add3A_16, %dma_wait3A] : memref<10000x128xf32, #tpu.memory_space<vmem_shared>> -> memref<208x128xf32, #tpu.memory_space<vmem_shared>>
      %dma_wait3A_54 = arith.constant 0 : i32
      %dma_wait3A_55 = tpu.memref_slice %arg10[%add3A_16, %dma_wait3A_54] : memref<10000x128xf32, #tpu.memory_space<vmem_shared>> -> memref<208x128xf32, #tpu.memory_space<vmem_shared>>
      tpu.wait_dma2 semaphore(%run_scoped3A : memref<!tpu.dma_semaphore, #tpu.memory_space<semaphore_mem>>) src(%arg9 : memref<208x128xf32, #tpu.memory_space<vmem>>) dst(%dma_wait3A_55 : memref<208x128xf32, #tpu.memory_space<vmem_shared>>)
      tpu.yield
    }) : () -> ()
    %eq3A = arith.constant 15 : i32
    %eq3A_17 = arith.cmpi eq, %arg1, %eq3A : i32
    %convert_element_type3A = arith.extui %eq3A_17 : i1 to i32
    %cond3A = arith.constant 0 : i32
    %cond3A_18 = arith.cmpi ne, %convert_element_type3A, %cond3A : i32
    scf.if %cond3A_18 {
      "tpu.region"() ({
        %run_scoped3A = tpu.sem_alloc : memref<!tpu.dma_semaphore, #tpu.memory_space<semaphore_mem>>
        %dma_start3A = arith.constant 0 : i32
        %dma_start3A_50 = arith.constant 0 : i32
        %dma_start3A_51 = tpu.memref_slice %arg9[%dma_start3A, %dma_start3A_50] : memref<208x128xf32, #tpu.memory_space<vmem>> -> memref<16x128xf32, #tpu.memory_space<vmem>>
        %dma_start3A_52 = arith.constant 9984 : i32
        %dma_start3A_53 = arith.constant 0 : i32
        %dma_start3A_54 = tpu.memref_slice %arg10[%dma_start3A_52, %dma_start3A_53] : memref<10000x128xf32, #tpu.memory_space<vmem_shared>> -> memref<16x128xf32, #tpu.memory_space<vmem_shared>>
        %dma_start3A_55 = arith.constant 9984 : i32
        %dma_start3A_56 = arith.constant 0 : i32
        %dma_start3A_57 = tpu.memref_slice %arg10[%dma_start3A_55, %dma_start3A_56] : memref<10000x128xf32, #tpu.memory_space<vmem_shared>> -> memref<16x128xf32, #tpu.memory_space<vmem_shared>>
        %dma_start3A_58 = arith.constant 0 : i32
        %dma_start3A_59 = arith.constant 0 : i32
        %dma_start3A_60 = tpu.memref_slice %arg9[%dma_start3A_58, %dma_start3A_59] : memref<208x128xf32, #tpu.memory_space<vmem>> -> memref<16x128xf32, #tpu.memory_space<vmem>>
        tpu.enqueue_dma source(%dma_start3A_60 : memref<16x128xf32, #tpu.memory_space<vmem>>) target(%dma_start3A_57 : memref<16x128xf32, #tpu.memory_space<vmem_shared>>) target_semaphore(%run_scoped3A : memref<!tpu.dma_semaphore, #tpu.memory_space<semaphore_mem>>)
        %dma_wait3A = arith.constant 0 : i32
        %dma_wait3A_61 = arith.constant 0 : i32
        %dma_wait3A_62 = tpu.memref_slice %arg9[%dma_wait3A, %dma_wait3A_61] : memref<208x128xf32, #tpu.memory_space<vmem>> -> memref<16x128xf32, #tpu.memory_space<vmem>>
        %dma_wait3A_63 = arith.constant 9984 : i32
        %dma_wait3A_64 = arith.constant 0 : i32
        %dma_wait3A_65 = tpu.memref_slice %arg10[%dma_wait3A_63, %dma_wait3A_64] : memref<10000x128xf32, #tpu.memory_space<vmem_shared>> -> memref<16x128xf32, #tpu.memory_space<vmem_shared>>
        %dma_wait3A_66 = arith.constant 9984 : i32
        %dma_wait3A_67 = arith.constant 0 : i32
        %dma_wait3A_68 = tpu.memref_slice %arg10[%dma_wait3A_66, %dma_wait3A_67] : memref<10000x128xf32, #tpu.memory_space<vmem_shared>> -> memref<16x128xf32, #tpu.memory_space<vmem_shared>>
        %dma_wait3A_69 = arith.constant 0 : i32
        %dma_wait3A_70 = arith.constant 0 : i32
        %dma_wait3A_71 = tpu.memref_slice %arg9[%dma_wait3A_69, %dma_wait3A_70] : memref<208x128xf32, #tpu.memory_space<vmem>> -> memref<16x128xf32, #tpu.memory_space<vmem>>
        tpu.wait_dma2 semaphore(%run_scoped3A : memref<!tpu.dma_semaphore, #tpu.memory_space<semaphore_mem>>) src(%dma_wait3A_71 : memref<16x128xf32, #tpu.memory_space<vmem>>) dst(%dma_wait3A_68 : memref<16x128xf32, #tpu.memory_space<vmem_shared>>)
        tpu.yield
      }) : () -> ()
    } else {
    }
    %barrier3A = arith.constant 0 : index
    tpu.barrier barrier_id(%barrier3A)
    %mul3A_19 = arith.constant 78 : i32
    %mul3A_20 = arith.muli %mul3A_19, %add3A : i32
    %min3A = arith.constant 4 : i32
    %min3A_21 = arith.minsi %add3A, %min3A : i32
    %add3A_22 = arith.addi %mul3A_20, %min3A_21 : i32
    %scan3A_23 = arith.constant 0 : i32
    %scan3A_24 = arith.constant 78 : i32
    %scan3A_25 = arith.addi %scan3A_23, %scan3A_24 : i32
    %scan3A_26 = arith.constant 1 : i32
    scf.for %scan3A_50 = %scan3A_23 to %scan3A_25 step %scan3A_26  : i32 {
      %mul3A_51 = arith.constant 1 : i32
      %mul3A_52 = arith.muli %scan3A_50, %mul3A_51 : i32
      %add3A_53 = arith.constant 0 : i32
      %add3A_54 = arith.addi %add3A_53, %mul3A_52 : i32
      %add3A_55 = arith.addi %add3A_22, %add3A_54 : i32
      %mul3A_56 = arith.constant 128 : i32
      %mul3A_57 = arith.muli %add3A_55, %mul3A_56 : i32
      %run_scoped3A = arith.constant 0 : i32
      "tpu.region"() ({
        %run_scoped3A_61 = tpu.sem_alloc : memref<!tpu.dma_semaphore, #tpu.memory_space<semaphore_mem>>
        %dma_start3A = arith.constant 0 : i32
        %dma_start3A_62 = tpu.memref_slice %arg6[%run_scoped3A, %dma_start3A] : memref<1x128xi32, #tpu.memory_space<vmem>> -> memref<1x128xi32, #tpu.memory_space<vmem>>
        %dma_start3A_63 = tpu.memref_squeeze %dma_start3A_62 : memref<1x128xi32, #tpu.memory_space<vmem>> -> memref<128xi32, #tpu.memory_space<vmem>>
        %dma_start3A_64 = tpu.memref_slice %arg3[%mul3A_57] : memref<320000xi32, #tpu.memory_space<hbm>> -> memref<128xi32, #tpu.memory_space<hbm>>
        %dma_start3A_65 = arith.constant 0 : i32
        %dma_start3A_66 = tpu.memref_slice %arg6[%run_scoped3A, %dma_start3A_65] : memref<1x128xi32, #tpu.memory_space<vmem>> -> memref<1x128xi32, #tpu.memory_space<vmem>>
        %dma_start3A_67 = tpu.memref_squeeze %dma_start3A_66 : memref<1x128xi32, #tpu.memory_space<vmem>> -> memref<128xi32, #tpu.memory_space<vmem>>
        %dma_start3A_68 = tpu.memref_slice %arg3[%mul3A_57] : memref<320000xi32, #tpu.memory_space<hbm>> -> memref<128xi32, #tpu.memory_space<hbm>>
        tpu.enqueue_dma source(%dma_start3A_68 : memref<128xi32, #tpu.memory_space<hbm>>) target(%dma_start3A_67 : memref<128xi32, #tpu.memory_space<vmem>>) target_semaphore(%run_scoped3A_61 : memref<!tpu.dma_semaphore, #tpu.memory_space<semaphore_mem>>)
        %dma_wait3A = arith.constant 0 : i32
        %dma_wait3A_69 = tpu.memref_slice %arg6[%run_scoped3A, %dma_wait3A] : memref<1x128xi32, #tpu.memory_space<vmem>> -> memref<1x128xi32, #tpu.memory_space<vmem>>
        %dma_wait3A_70 = tpu.memref_squeeze %dma_wait3A_69 : memref<1x128xi32, #tpu.memory_space<vmem>> -> memref<128xi32, #tpu.memory_space<vmem>>
        %dma_wait3A_71 = tpu.memref_slice %arg3[%mul3A_57] : memref<320000xi32, #tpu.memory_space<hbm>> -> memref<128xi32, #tpu.memory_space<hbm>>
        %dma_wait3A_72 = arith.constant 0 : i32
        %dma_wait3A_73 = tpu.memref_slice %arg6[%run_scoped3A, %dma_wait3A_72] : memref<1x128xi32, #tpu.memory_space<vmem>> -> memref<1x128xi32, #tpu.memory_space<vmem>>
        %dma_wait3A_74 = tpu.memref_squeeze %dma_wait3A_73 : memref<1x128xi32, #tpu.memory_space<vmem>> -> memref<128xi32, #tpu.memory_space<vmem>>
        %dma_wait3A_75 = tpu.memref_slice %arg3[%mul3A_57] : memref<320000xi32, #tpu.memory_space<hbm>> -> memref<128xi32, #tpu.memory_space<hbm>>
        tpu.wait_dma2 semaphore(%run_scoped3A_61 : memref<!tpu.dma_semaphore, #tpu.memory_space<semaphore_mem>>) src(%dma_wait3A_75 : memref<128xi32, #tpu.memory_space<hbm>>) dst(%dma_wait3A_74 : memref<128xi32, #tpu.memory_space<vmem>>)
        tpu.yield
      }) : () -> ()
      %run_scoped3A_58 = arith.constant 0 : i32
      "tpu.region"() ({
        %run_scoped3A_61 = tpu.sem_alloc : memref<!tpu.dma_semaphore, #tpu.memory_space<semaphore_mem>>
        %dma_start3A = arith.constant 0 : i32
        %dma_start3A_62 = tpu.memref_slice %arg7[%run_scoped3A_58, %dma_start3A] : memref<1x128xi32, #tpu.memory_space<vmem>> -> memref<1x128xi32, #tpu.memory_space<vmem>>
        %dma_start3A_63 = tpu.memref_squeeze %dma_start3A_62 : memref<1x128xi32, #tpu.memory_space<vmem>> -> memref<128xi32, #tpu.memory_space<vmem>>
        %dma_start3A_64 = tpu.memref_slice %arg4[%mul3A_57] : memref<320000xi32, #tpu.memory_space<hbm>> -> memref<128xi32, #tpu.memory_space<hbm>>
        %dma_start3A_65 = arith.constant 0 : i32
        %dma_start3A_66 = tpu.memref_slice %arg7[%run_scoped3A_58, %dma_start3A_65] : memref<1x128xi32, #tpu.memory_space<vmem>> -> memref<1x128xi32, #tpu.memory_space<vmem>>
        %dma_start3A_67 = tpu.memref_squeeze %dma_start3A_66 : memref<1x128xi32, #tpu.memory_space<vmem>> -> memref<128xi32, #tpu.memory_space<vmem>>
        %dma_start3A_68 = tpu.memref_slice %arg4[%mul3A_57] : memref<320000xi32, #tpu.memory_space<hbm>> -> memref<128xi32, #tpu.memory_space<hbm>>
        tpu.enqueue_dma source(%dma_start3A_68 : memref<128xi32, #tpu.memory_space<hbm>>) target(%dma_start3A_67 : memref<128xi32, #tpu.memory_space<vmem>>) target_semaphore(%run_scoped3A_61 : memref<!tpu.dma_semaphore, #tpu.memory_space<semaphore_mem>>)
        %dma_wait3A = arith.constant 0 : i32
        %dma_wait3A_69 = tpu.memref_slice %arg7[%run_scoped3A_58, %dma_wait3A] : memref<1x128xi32, #tpu.memory_space<vmem>> -> memref<1x128xi32, #tpu.memory_space<vmem>>
        %dma_wait3A_70 = tpu.memref_squeeze %dma_wait3A_69 : memref<1x128xi32, #tpu.memory_space<vmem>> -> memref<128xi32, #tpu.memory_space<vmem>>
        %dma_wait3A_71 = tpu.memref_slice %arg4[%mul3A_57] : memref<320000xi32, #tpu.memory_space<hbm>> -> memref<128xi32, #tpu.memory_space<hbm>>
        %dma_wait3A_72 = arith.constant 0 : i32
        %dma_wait3A_73 = tpu.memref_slice %arg7[%run_scoped3A_58, %dma_wait3A_72] : memref<1x128xi32, #tpu.memory_space<vmem>> -> memref<1x128xi32, #tpu.memory_space<vmem>>
        %dma_wait3A_74 = tpu.memref_squeeze %dma_wait3A_73 : memref<1x128xi32, #tpu.memory_space<vmem>> -> memref<128xi32, #tpu.memory_space<vmem>>
        %dma_wait3A_75 = tpu.memref_slice %arg4[%mul3A_57] : memref<320000xi32, #tpu.memory_space<hbm>> -> memref<128xi32, #tpu.memory_space<hbm>>
        tpu.wait_dma2 semaphore(%run_scoped3A_61 : memref<!tpu.dma_semaphore, #tpu.memory_space<semaphore_mem>>) src(%dma_wait3A_75 : memref<128xi32, #tpu.memory_space<hbm>>) dst(%dma_wait3A_74 : memref<128xi32, #tpu.memory_space<vmem>>)
        tpu.yield
      }) : () -> ()
      %run_scoped3A_59 = arith.constant 0 : i32
      "tpu.region"() ({
        %run_scoped3A_61 = tpu.sem_alloc : memref<!tpu.dma_semaphore, #tpu.memory_space<semaphore_mem>>
        %dma_start3A = arith.constant 0 : i32
        %dma_start3A_62 = tpu.memref_slice %arg6[%run_scoped3A_59, %dma_start3A] : memref<1x128xi32, #tpu.memory_space<vmem>> -> memref<1x128xi32, #tpu.memory_space<vmem>>
        %dma_start3A_63 = tpu.memref_squeeze %dma_start3A_62 : memref<1x128xi32, #tpu.memory_space<vmem>> -> memref<128xi32, #tpu.memory_space<vmem>>
        %dma_start3A_64 = arith.constant 0 : i32
        %dma_start3A_65 = arith.constant 0 : i32
        %dma_start3A_66 = tpu.memref_slice %arg2[%dma_start3A_64, %dma_start3A_65] : memref<10000x128xf32, #tpu.memory_space<hbm>> -> memref<10000x128xf32, #tpu.memory_space<hbm>>
        tpu.enqueue_indirect_dma source(%dma_start3A_66 : memref<10000x128xf32, #tpu.memory_space<hbm>>) target(%arg8 : memref<128x128xf32, #tpu.memory_space<vmem>>) offsets(%dma_start3A_63 : memref<128xi32, #tpu.memory_space<vmem>>) semaphore(%run_scoped3A_61 : memref<!tpu.dma_semaphore, #tpu.memory_space<semaphore_mem>>)
        %dma_wait3A = arith.constant 0 : i32
        %dma_wait3A_67 = tpu.memref_slice %arg6[%run_scoped3A_59, %dma_wait3A] : memref<1x128xi32, #tpu.memory_space<vmem>> -> memref<1x128xi32, #tpu.memory_space<vmem>>
        %dma_wait3A_68 = tpu.memref_squeeze %dma_wait3A_67 : memref<1x128xi32, #tpu.memory_space<vmem>> -> memref<128xi32, #tpu.memory_space<vmem>>
        %dma_wait3A_69 = arith.constant 0 : i32
        %dma_wait3A_70 = arith.constant 0 : i32
        %dma_wait3A_71 = tpu.memref_slice %arg2[%dma_wait3A_69, %dma_wait3A_70] : memref<10000x128xf32, #tpu.memory_space<hbm>> -> memref<10000x128xf32, #tpu.memory_space<hbm>>
        tpu.wait_indirect_dma semaphore(%run_scoped3A_61 : memref<!tpu.dma_semaphore, #tpu.memory_space<semaphore_mem>>) src(%dma_wait3A_71 : memref<10000x128xf32, #tpu.memory_space<hbm>>) dst(%arg8 : memref<128x128xf32, #tpu.memory_space<vmem>>)
        tpu.yield
      }) : () -> ()
      %run_scoped3A_60 = arith.constant 0 : i32
      "tpu.region"() ({
        %run_scoped3A_61 = tpu.sem_alloc : memref<!tpu.dma_semaphore, #tpu.memory_space<semaphore_mem>>
        %dma_start3A = arith.constant 0 : i32
        %dma_start3A_62 = tpu.memref_slice %arg7[%run_scoped3A_60, %dma_start3A] : memref<1x128xi32, #tpu.memory_space<vmem>> -> memref<1x128xi32, #tpu.memory_space<vmem>>
        %dma_start3A_63 = tpu.memref_squeeze %dma_start3A_62 : memref<1x128xi32, #tpu.memory_space<vmem>> -> memref<128xi32, #tpu.memory_space<vmem>>
        %dma_start3A_64 = arith.constant 0 : i32
        %dma_start3A_65 = arith.constant 0 : i32
        %dma_start3A_66 = tpu.memref_slice %arg10[%dma_start3A_64, %dma_start3A_65] : memref<10000x128xf32, #tpu.memory_space<vmem_shared>> -> memref<10000x128xf32, #tpu.memory_space<vmem_shared>>
        tpu.enqueue_indirect_dma source(%arg8 : memref<128x128xf32, #tpu.memory_space<vmem>>) target(%dma_start3A_66 : memref<10000x128xf32, #tpu.memory_space<vmem_shared>>) offsets(%dma_start3A_63 : memref<128xi32, #tpu.memory_space<vmem>>) semaphore(%run_scoped3A_61 : memref<!tpu.dma_semaphore, #tpu.memory_space<semaphore_mem>>) {add = true}
        %dma_wait3A = arith.constant 0 : i32
        %dma_wait3A_67 = tpu.memref_slice %arg7[%run_scoped3A_60, %dma_wait3A] : memref<1x128xi32, #tpu.memory_space<vmem>> -> memref<1x128xi32, #tpu.memory_space<vmem>>
        %dma_wait3A_68 = tpu.memref_squeeze %dma_wait3A_67 : memref<1x128xi32, #tpu.memory_space<vmem>> -> memref<128xi32, #tpu.memory_space<vmem>>
        %dma_wait3A_69 = arith.constant 0 : i32
        %dma_wait3A_70 = arith.constant 0 : i32
        %dma_wait3A_71 = tpu.memref_slice %arg10[%dma_wait3A_69, %dma_wait3A_70] : memref<10000x128xf32, #tpu.memory_space<vmem_shared>> -> memref<10000x128xf32, #tpu.memory_space<vmem_shared>>
        tpu.wait_indirect_dma semaphore(%run_scoped3A_61 : memref<!tpu.dma_semaphore, #tpu.memory_space<semaphore_mem>>) src(%arg8 : memref<128x128xf32, #tpu.memory_space<vmem>>) dst(%dma_wait3A_71 : memref<10000x128xf32, #tpu.memory_space<vmem_shared>>)
        tpu.yield
      }) : () -> ()
    }
    %scan3A_27 = arith.constant 78 : i32
    %lt3A = arith.constant 4 : i32
    %lt3A_28 = arith.cmpi slt, %add3A, %lt3A : i32
    %convert_element_type3A_29 = arith.extui %lt3A_28 : i1 to i32
    %cond3A_30 = arith.constant 0 : i32
    %cond3A_31 = arith.cmpi ne, %convert_element_type3A_29, %cond3A_30 : i32
    scf.if %cond3A_31 {
      %add3A_50 = arith.constant 78 : i32
      %add3A_51 = arith.addi %add3A_22, %add3A_50 : i32
      %mul3A_52 = arith.constant 128 : i32
      %mul3A_53 = arith.muli %add3A_51, %mul3A_52 : i32
      %run_scoped3A = arith.constant 0 : i32
      "tpu.region"() ({
        %run_scoped3A_57 = tpu.sem_alloc : memref<!tpu.dma_semaphore, #tpu.memory_space<semaphore_mem>>
        %dma_start3A = arith.constant 0 : i32
        %dma_start3A_58 = tpu.memref_slice %arg6[%run_scoped3A, %dma_start3A] : memref<1x128xi32, #tpu.memory_space<vmem>> -> memref<1x128xi32, #tpu.memory_space<vmem>>
        %dma_start3A_59 = tpu.memref_squeeze %dma_start3A_58 : memref<1x128xi32, #tpu.memory_space<vmem>> -> memref<128xi32, #tpu.memory_space<vmem>>
        %dma_start3A_60 = tpu.memref_slice %arg3[%mul3A_53] : memref<320000xi32, #tpu.memory_space<hbm>> -> memref<128xi32, #tpu.memory_space<hbm>>
        %dma_start3A_61 = arith.constant 0 : i32
        %dma_start3A_62 = tpu.memref_slice %arg6[%run_scoped3A, %dma_start3A_61] : memref<1x128xi32, #tpu.memory_space<vmem>> -> memref<1x128xi32, #tpu.memory_space<vmem>>
        %dma_start3A_63 = tpu.memref_squeeze %dma_start3A_62 : memref<1x128xi32, #tpu.memory_space<vmem>> -> memref<128xi32, #tpu.memory_space<vmem>>
        %dma_start3A_64 = tpu.memref_slice %arg3[%mul3A_53] : memref<320000xi32, #tpu.memory_space<hbm>> -> memref<128xi32, #tpu.memory_space<hbm>>
        tpu.enqueue_dma source(%dma_start3A_64 : memref<128xi32, #tpu.memory_space<hbm>>) target(%dma_start3A_63 : memref<128xi32, #tpu.memory_space<vmem>>) target_semaphore(%run_scoped3A_57 : memref<!tpu.dma_semaphore, #tpu.memory_space<semaphore_mem>>)
        %dma_wait3A = arith.constant 0 : i32
        %dma_wait3A_65 = tpu.memref_slice %arg6[%run_scoped3A, %dma_wait3A] : memref<1x128xi32, #tpu.memory_space<vmem>> -> memref<1x128xi32, #tpu.memory_space<vmem>>
        %dma_wait3A_66 = tpu.memref_squeeze %dma_wait3A_65 : memref<1x128xi32, #tpu.memory_space<vmem>> -> memref<128xi32, #tpu.memory_space<vmem>>
        %dma_wait3A_67 = tpu.memref_slice %arg3[%mul3A_53] : memref<320000xi32, #tpu.memory_space<hbm>> -> memref<128xi32, #tpu.memory_space<hbm>>
        %dma_wait3A_68 = arith.constant 0 : i32
        %dma_wait3A_69 = tpu.memref_slice %arg6[%run_scoped3A, %dma_wait3A_68] : memref<1x128xi32, #tpu.memory_space<vmem>> -> memref<1x128xi32, #tpu.memory_space<vmem>>
        %dma_wait3A_70 = tpu.memref_squeeze %dma_wait3A_69 : memref<1x128xi32, #tpu.memory_space<vmem>> -> memref<128xi32, #tpu.memory_space<vmem>>
        %dma_wait3A_71 = tpu.memref_slice %arg3[%mul3A_53] : memref<320000xi32, #tpu.memory_space<hbm>> -> memref<128xi32, #tpu.memory_space<hbm>>
        tpu.wait_dma2 semaphore(%run_scoped3A_57 : memref<!tpu.dma_semaphore, #tpu.memory_space<semaphore_mem>>) src(%dma_wait3A_71 : memref<128xi32, #tpu.memory_space<hbm>>) dst(%dma_wait3A_70 : memref<128xi32, #tpu.memory_space<vmem>>)
        tpu.yield
      }) : () -> ()
      %run_scoped3A_54 = arith.constant 0 : i32
      "tpu.region"() ({
        %run_scoped3A_57 = tpu.sem_alloc : memref<!tpu.dma_semaphore, #tpu.memory_space<semaphore_mem>>
        %dma_start3A = arith.constant 0 : i32
        %dma_start3A_58 = tpu.memref_slice %arg7[%run_scoped3A_54, %dma_start3A] : memref<1x128xi32, #tpu.memory_space<vmem>> -> memref<1x128xi32, #tpu.memory_space<vmem>>
        %dma_start3A_59 = tpu.memref_squeeze %dma_start3A_58 : memref<1x128xi32, #tpu.memory_space<vmem>> -> memref<128xi32, #tpu.memory_space<vmem>>
        %dma_start3A_60 = tpu.memref_slice %arg4[%mul3A_53] : memref<320000xi32, #tpu.memory_space<hbm>> -> memref<128xi32, #tpu.memory_space<hbm>>
        %dma_start3A_61 = arith.constant 0 : i32
        %dma_start3A_62 = tpu.memref_slice %arg7[%run_scoped3A_54, %dma_start3A_61] : memref<1x128xi32, #tpu.memory_space<vmem>> -> memref<1x128xi32, #tpu.memory_space<vmem>>
        %dma_start3A_63 = tpu.memref_squeeze %dma_start3A_62 : memref<1x128xi32, #tpu.memory_space<vmem>> -> memref<128xi32, #tpu.memory_space<vmem>>
        %dma_start3A_64 = tpu.memref_slice %arg4[%mul3A_53] : memref<320000xi32, #tpu.memory_space<hbm>> -> memref<128xi32, #tpu.memory_space<hbm>>
        tpu.enqueue_dma source(%dma_start3A_64 : memref<128xi32, #tpu.memory_space<hbm>>) target(%dma_start3A_63 : memref<128xi32, #tpu.memory_space<vmem>>) target_semaphore(%run_scoped3A_57 : memref<!tpu.dma_semaphore, #tpu.memory_space<semaphore_mem>>)
        %dma_wait3A = arith.constant 0 : i32
        %dma_wait3A_65 = tpu.memref_slice %arg7[%run_scoped3A_54, %dma_wait3A] : memref<1x128xi32, #tpu.memory_space<vmem>> -> memref<1x128xi32, #tpu.memory_space<vmem>>
        %dma_wait3A_66 = tpu.memref_squeeze %dma_wait3A_65 : memref<1x128xi32, #tpu.memory_space<vmem>> -> memref<128xi32, #tpu.memory_space<vmem>>
        %dma_wait3A_67 = tpu.memref_slice %arg4[%mul3A_53] : memref<320000xi32, #tpu.memory_space<hbm>> -> memref<128xi32, #tpu.memory_space<hbm>>
        %dma_wait3A_68 = arith.constant 0 : i32
        %dma_wait3A_69 = tpu.memref_slice %arg7[%run_scoped3A_54, %dma_wait3A_68] : memref<1x128xi32, #tpu.memory_space<vmem>> -> memref<1x128xi32, #tpu.memory_space<vmem>>
        %dma_wait3A_70 = tpu.memref_squeeze %dma_wait3A_69 : memref<1x128xi32, #tpu.memory_space<vmem>> -> memref<128xi32, #tpu.memory_space<vmem>>
        %dma_wait3A_71 = tpu.memref_slice %arg4[%mul3A_53] : memref<320000xi32, #tpu.memory_space<hbm>> -> memref<128xi32, #tpu.memory_space<hbm>>
        tpu.wait_dma2 semaphore(%run_scoped3A_57 : memref<!tpu.dma_semaphore, #tpu.memory_space<semaphore_mem>>) src(%dma_wait3A_71 : memref<128xi32, #tpu.memory_space<hbm>>) dst(%dma_wait3A_70 : memref<128xi32, #tpu.memory_space<vmem>>)
        tpu.yield
      }) : () -> ()
      %run_scoped3A_55 = arith.constant 0 : i32
      "tpu.region"() ({
        %run_scoped3A_57 = tpu.sem_alloc : memref<!tpu.dma_semaphore, #tpu.memory_space<semaphore_mem>>
        %dma_start3A = arith.constant 0 : i32
        %dma_start3A_58 = tpu.memref_slice %arg6[%run_scoped3A_55, %dma_start3A] : memref<1x128xi32, #tpu.memory_space<vmem>> -> memref<1x128xi32, #tpu.memory_space<vmem>>
        %dma_start3A_59 = tpu.memref_squeeze %dma_start3A_58 : memref<1x128xi32, #tpu.memory_space<vmem>> -> memref<128xi32, #tpu.memory_space<vmem>>
        %dma_start3A_60 = arith.constant 0 : i32
        %dma_start3A_61 = arith.constant 0 : i32
        %dma_start3A_62 = tpu.memref_slice %arg2[%dma_start3A_60, %dma_start3A_61] : memref<10000x128xf32, #tpu.memory_space<hbm>> -> memref<10000x128xf32, #tpu.memory_space<hbm>>
        tpu.enqueue_indirect_dma source(%dma_start3A_62 : memref<10000x128xf32, #tpu.memory_space<hbm>>) target(%arg8 : memref<128x128xf32, #tpu.memory_space<vmem>>) offsets(%dma_start3A_59 : memref<128xi32, #tpu.memory_space<vmem>>) semaphore(%run_scoped3A_57 : memref<!tpu.dma_semaphore, #tpu.memory_space<semaphore_mem>>)
        %dma_wait3A = arith.constant 0 : i32
        %dma_wait3A_63 = tpu.memref_slice %arg6[%run_scoped3A_55, %dma_wait3A] : memref<1x128xi32, #tpu.memory_space<vmem>> -> memref<1x128xi32, #tpu.memory_space<vmem>>
        %dma_wait3A_64 = tpu.memref_squeeze %dma_wait3A_63 : memref<1x128xi32, #tpu.memory_space<vmem>> -> memref<128xi32, #tpu.memory_space<vmem>>
        %dma_wait3A_65 = arith.constant 0 : i32
        %dma_wait3A_66 = arith.constant 0 : i32
        %dma_wait3A_67 = tpu.memref_slice %arg2[%dma_wait3A_65, %dma_wait3A_66] : memref<10000x128xf32, #tpu.memory_space<hbm>> -> memref<10000x128xf32, #tpu.memory_space<hbm>>
        tpu.wait_indirect_dma semaphore(%run_scoped3A_57 : memref<!tpu.dma_semaphore, #tpu.memory_space<semaphore_mem>>) src(%dma_wait3A_67 : memref<10000x128xf32, #tpu.memory_space<hbm>>) dst(%arg8 : memref<128x128xf32, #tpu.memory_space<vmem>>)
        tpu.yield
      }) : () -> ()
      %run_scoped3A_56 = arith.constant 0 : i32
      "tpu.region"() ({
        %run_scoped3A_57 = tpu.sem_alloc : memref<!tpu.dma_semaphore, #tpu.memory_space<semaphore_mem>>
        %dma_start3A = arith.constant 0 : i32
        %dma_start3A_58 = tpu.memref_slice %arg7[%run_scoped3A_56, %dma_start3A] : memref<1x128xi32, #tpu.memory_space<vmem>> -> memref<1x128xi32, #tpu.memory_space<vmem>>
        %dma_start3A_59 = tpu.memref_squeeze %dma_start3A_58 : memref<1x128xi32, #tpu.memory_space<vmem>> -> memref<128xi32, #tpu.memory_space<vmem>>
        %dma_start3A_60 = arith.constant 0 : i32
        %dma_start3A_61 = arith.constant 0 : i32
        %dma_start3A_62 = tpu.memref_slice %arg10[%dma_start3A_60, %dma_start3A_61] : memref<10000x128xf32, #tpu.memory_space<vmem_shared>> -> memref<10000x128xf32, #tpu.memory_space<vmem_shared>>
        tpu.enqueue_indirect_dma source(%arg8 : memref<128x128xf32, #tpu.memory_space<vmem>>) target(%dma_start3A_62 : memref<10000x128xf32, #tpu.memory_space<vmem_shared>>) offsets(%dma_start3A_59 : memref<128xi32, #tpu.memory_space<vmem>>) semaphore(%run_scoped3A_57 : memref<!tpu.dma_semaphore, #tpu.memory_space<semaphore_mem>>) {add = true}
        %dma_wait3A = arith.constant 0 : i32
        %dma_wait3A_63 = tpu.memref_slice %arg7[%run_scoped3A_56, %dma_wait3A] : memref<1x128xi32, #tpu.memory_space<vmem>> -> memref<1x128xi32, #tpu.memory_space<vmem>>
        %dma_wait3A_64 = tpu.memref_squeeze %dma_wait3A_63 : memref<1x128xi32, #tpu.memory_space<vmem>> -> memref<128xi32, #tpu.memory_space<vmem>>
        %dma_wait3A_65 = arith.constant 0 : i32
        %dma_wait3A_66 = arith.constant 0 : i32
        %dma_wait3A_67 = tpu.memref_slice %arg10[%dma_wait3A_65, %dma_wait3A_66] : memref<10000x128xf32, #tpu.memory_space<vmem_shared>> -> memref<10000x128xf32, #tpu.memory_space<vmem_shared>>
        tpu.wait_indirect_dma semaphore(%run_scoped3A_57 : memref<!tpu.dma_semaphore, #tpu.memory_space<semaphore_mem>>) src(%arg8 : memref<128x128xf32, #tpu.memory_space<vmem>>) dst(%dma_wait3A_67 : memref<10000x128xf32, #tpu.memory_space<vmem_shared>>)
        tpu.yield
      }) : () -> ()
    } else {
    }
    %barrier3A_32 = arith.constant 0 : index
    tpu.barrier barrier_id(%barrier3A_32)
    %mul3A_33 = arith.constant 624 : i32
    %mul3A_34 = arith.muli %arg1, %mul3A_33 : i32
    %add3A_35 = arith.constant 0 : i32
    %add3A_36 = arith.addi %mul3A_34, %add3A_35 : i32
    "tpu.region"() ({
      %run_scoped3A = tpu.sem_alloc : memref<!tpu.dma_semaphore, #tpu.memory_space<semaphore_mem>>
      %dma_start3A = arith.constant 0 : i32
      %dma_start3A_50 = arith.constant 0 : i32
      %dma_start3A_51 = tpu.memref_slice %arg5[%arg0, %dma_start3A, %dma_start3A_50] : memref<2x10000x128xf32, #tpu.memory_space<hbm>> -> memref<1x10000x128xf32, #tpu.memory_space<hbm>>
      %dma_start3A_52 = tpu.memref_squeeze %dma_start3A_51 : memref<1x10000x128xf32, #tpu.memory_space<hbm>> -> memref<10000x128xf32, #tpu.memory_space<hbm>>
      %dma_start3A_53 = arith.constant 0 : i32
      %dma_start3A_54 = tpu.memref_slice %dma_start3A_52[%add3A_36, %dma_start3A_53] : memref<10000x128xf32, #tpu.memory_space<hbm>> -> memref<208x128xf32, #tpu.memory_space<hbm>>
      %dma_start3A_55 = arith.constant 0 : i32
      %dma_start3A_56 = tpu.memref_slice %arg10[%add3A_36, %dma_start3A_55] : memref<10000x128xf32, #tpu.memory_space<vmem_shared>> -> memref<208x128xf32, #tpu.memory_space<vmem_shared>>
      tpu.enqueue_dma source(%dma_start3A_56 : memref<208x128xf32, #tpu.memory_space<vmem_shared>>) target(%dma_start3A_54 : memref<208x128xf32, #tpu.memory_space<hbm>>) target_semaphore(%run_scoped3A : memref<!tpu.dma_semaphore, #tpu.memory_space<semaphore_mem>>)
      %dma_wait3A = arith.constant 0 : i32
      %dma_wait3A_57 = arith.constant 0 : i32
      %dma_wait3A_58 = tpu.memref_slice %arg5[%arg0, %dma_wait3A, %dma_wait3A_57] : memref<2x10000x128xf32, #tpu.memory_space<hbm>> -> memref<1x10000x128xf32, #tpu.memory_space<hbm>>
      %dma_wait3A_59 = tpu.memref_squeeze %dma_wait3A_58 : memref<1x10000x128xf32, #tpu.memory_space<hbm>> -> memref<10000x128xf32, #tpu.memory_space<hbm>>
      %dma_wait3A_60 = arith.constant 0 : i32
      %dma_wait3A_61 = tpu.memref_slice %dma_wait3A_59[%add3A_36, %dma_wait3A_60] : memref<10000x128xf32, #tpu.memory_space<hbm>> -> memref<208x128xf32, #tpu.memory_space<hbm>>
      %dma_wait3A_62 = arith.constant 0 : i32
      %dma_wait3A_63 = tpu.memref_slice %arg10[%add3A_36, %dma_wait3A_62] : memref<10000x128xf32, #tpu.memory_space<vmem_shared>> -> memref<208x128xf32, #tpu.memory_space<vmem_shared>>
      tpu.wait_dma2 semaphore(%run_scoped3A : memref<!tpu.dma_semaphore, #tpu.memory_space<semaphore_mem>>) src(%dma_wait3A_63 : memref<208x128xf32, #tpu.memory_space<vmem_shared>>) dst(%dma_wait3A_61 : memref<208x128xf32, #tpu.memory_space<hbm>>)
      tpu.yield
    }) : () -> ()
    %mul3A_37 = arith.constant 624 : i32
    %mul3A_38 = arith.muli %arg1, %mul3A_37 : i32
    %add3A_39 = arith.constant 208 : i32
    %add3A_40 = arith.addi %mul3A_38, %add3A_39 : i32
    "tpu.region"() ({
      %run_scoped3A = tpu.sem_alloc : memref<!tpu.dma_semaphore, #tpu.memory_space<semaphore_mem>>
      %dma_start3A = arith.constant 0 : i32
      %dma_start3A_50 = arith.constant 0 : i32
      %dma_start3A_51 = tpu.memref_slice %arg5[%arg0, %dma_start3A, %dma_start3A_50] : memref<2x10000x128xf32, #tpu.memory_space<hbm>> -> memref<1x10000x128xf32, #tpu.memory_space<hbm>>
      %dma_start3A_52 = tpu.memref_squeeze %dma_start3A_51 : memref<1x10000x128xf32, #tpu.memory_space<hbm>> -> memref<10000x128xf32, #tpu.memory_space<hbm>>
      %dma_start3A_53 = arith.constant 0 : i32
      %dma_start3A_54 = tpu.memref_slice %dma_start3A_52[%add3A_40, %dma_start3A_53] : memref<10000x128xf32, #tpu.memory_space<hbm>> -> memref<208x128xf32, #tpu.memory_space<hbm>>
      %dma_start3A_55 = arith.constant 0 : i32
      %dma_start3A_56 = tpu.memref_slice %arg10[%add3A_40, %dma_start3A_55] : memref<10000x128xf32, #tpu.memory_space<vmem_shared>> -> memref<208x128xf32, #tpu.memory_space<vmem_shared>>
      tpu.enqueue_dma source(%dma_start3A_56 : memref<208x128xf32, #tpu.memory_space<vmem_shared>>) target(%dma_start3A_54 : memref<208x128xf32, #tpu.memory_space<hbm>>) target_semaphore(%run_scoped3A : memref<!tpu.dma_semaphore, #tpu.memory_space<semaphore_mem>>)
      %dma_wait3A = arith.constant 0 : i32
      %dma_wait3A_57 = arith.constant 0 : i32
      %dma_wait3A_58 = tpu.memref_slice %arg5[%arg0, %dma_wait3A, %dma_wait3A_57] : memref<2x10000x128xf32, #tpu.memory_space<hbm>> -> memref<1x10000x128xf32, #tpu.memory_space<hbm>>
      %dma_wait3A_59 = tpu.memref_squeeze %dma_wait3A_58 : memref<1x10000x128xf32, #tpu.memory_space<hbm>> -> memref<10000x128xf32, #tpu.memory_space<hbm>>
      %dma_wait3A_60 = arith.constant 0 : i32
      %dma_wait3A_61 = tpu.memref_slice %dma_wait3A_59[%add3A_40, %dma_wait3A_60] : memref<10000x128xf32, #tpu.memory_space<hbm>> -> memref<208x128xf32, #tpu.memory_space<hbm>>
      %dma_wait3A_62 = arith.constant 0 : i32
      %dma_wait3A_63 = tpu.memref_slice %arg10[%add3A_40, %dma_wait3A_62] : memref<10000x128xf32, #tpu.memory_space<vmem_shared>> -> memref<208x128xf32, #tpu.memory_space<vmem_shared>>
      tpu.wait_dma2 semaphore(%run_scoped3A : memref<!tpu.dma_semaphore, #tpu.memory_space<semaphore_mem>>) src(%dma_wait3A_63 : memref<208x128xf32, #tpu.memory_space<vmem_shared>>) dst(%dma_wait3A_61 : memref<208x128xf32, #tpu.memory_space<hbm>>)
      tpu.yield
    }) : () -> ()
    %mul3A_41 = arith.constant 624 : i32
    %mul3A_42 = arith.muli %arg1, %mul3A_41 : i32
    %add3A_43 = arith.constant 416 : i32
    %add3A_44 = arith.addi %mul3A_42, %add3A_43 : i32
    "tpu.region"() ({
      %run_scoped3A = tpu.sem_alloc : memref<!tpu.dma_semaphore, #tpu.memory_space<semaphore_mem>>
      %dma_start3A = arith.constant 0 : i32
      %dma_start3A_50 = arith.constant 0 : i32
      %dma_start3A_51 = tpu.memref_slice %arg5[%arg0, %dma_start3A, %dma_start3A_50] : memref<2x10000x128xf32, #tpu.memory_space<hbm>> -> memref<1x10000x128xf32, #tpu.memory_space<hbm>>
      %dma_start3A_52 = tpu.memref_squeeze %dma_start3A_51 : memref<1x10000x128xf32, #tpu.memory_space<hbm>> -> memref<10000x128xf32, #tpu.memory_space<hbm>>
      %dma_start3A_53 = arith.constant 0 : i32
      %dma_start3A_54 = tpu.memref_slice %dma_start3A_52[%add3A_44, %dma_start3A_53] : memref<10000x128xf32, #tpu.memory_space<hbm>> -> memref<208x128xf32, #tpu.memory_space<hbm>>
      %dma_start3A_55 = arith.constant 0 : i32
      %dma_start3A_56 = tpu.memref_slice %arg10[%add3A_44, %dma_start3A_55] : memref<10000x128xf32, #tpu.memory_space<vmem_shared>> -> memref<208x128xf32, #tpu.memory_space<vmem_shared>>
      tpu.enqueue_dma source(%dma_start3A_56 : memref<208x128xf32, #tpu.memory_space<vmem_shared>>) target(%dma_start3A_54 : memref<208x128xf32, #tpu.memory_space<hbm>>) target_semaphore(%run_scoped3A : memref<!tpu.dma_semaphore, #tpu.memory_space<semaphore_mem>>)
      %dma_wait3A = arith.constant 0 : i32
      %dma_wait3A_57 = arith.constant 0 : i32
      %dma_wait3A_58 = tpu.memref_slice %arg5[%arg0, %dma_wait3A, %dma_wait3A_57] : memref<2x10000x128xf32, #tpu.memory_space<hbm>> -> memref<1x10000x128xf32, #tpu.memory_space<hbm>>
      %dma_wait3A_59 = tpu.memref_squeeze %dma_wait3A_58 : memref<1x10000x128xf32, #tpu.memory_space<hbm>> -> memref<10000x128xf32, #tpu.memory_space<hbm>>
      %dma_wait3A_60 = arith.constant 0 : i32
      %dma_wait3A_61 = tpu.memref_slice %dma_wait3A_59[%add3A_44, %dma_wait3A_60] : memref<10000x128xf32, #tpu.memory_space<hbm>> -> memref<208x128xf32, #tpu.memory_space<hbm>>
      %dma_wait3A_62 = arith.constant 0 : i32
      %dma_wait3A_63 = tpu.memref_slice %arg10[%add3A_44, %dma_wait3A_62] : memref<10000x128xf32, #tpu.memory_space<vmem_shared>> -> memref<208x128xf32, #tpu.memory_space<vmem_shared>>
      tpu.wait_dma2 semaphore(%run_scoped3A : memref<!tpu.dma_semaphore, #tpu.memory_space<semaphore_mem>>) src(%dma_wait3A_63 : memref<208x128xf32, #tpu.memory_space<vmem_shared>>) dst(%dma_wait3A_61 : memref<208x128xf32, #tpu.memory_space<hbm>>)
      tpu.yield
    }) : () -> ()
    %eq3A_45 = arith.constant 15 : i32
    %eq3A_46 = arith.cmpi eq, %arg1, %eq3A_45 : i32
    %convert_element_type3A_47 = arith.extui %eq3A_46 : i1 to i32
    %cond3A_48 = arith.constant 0 : i32
    %cond3A_49 = arith.cmpi ne, %convert_element_type3A_47, %cond3A_48 : i32
    scf.if %cond3A_49 {
      "tpu.region"() ({
        %run_scoped3A = tpu.sem_alloc : memref<!tpu.dma_semaphore, #tpu.memory_space<semaphore_mem>>
        %dma_start3A = arith.constant 0 : i32
        %dma_start3A_50 = arith.constant 0 : i32
        %dma_start3A_51 = tpu.memref_slice %arg5[%arg0, %dma_start3A, %dma_start3A_50] : memref<2x10000x128xf32, #tpu.memory_space<hbm>> -> memref<1x10000x128xf32, #tpu.memory_space<hbm>>
        %dma_start3A_52 = tpu.memref_squeeze %dma_start3A_51 : memref<1x10000x128xf32, #tpu.memory_space<hbm>> -> memref<10000x128xf32, #tpu.memory_space<hbm>>
        %dma_start3A_53 = arith.constant 9984 : i32
        %dma_start3A_54 = arith.constant 0 : i32
        %dma_start3A_55 = tpu.memref_slice %dma_start3A_52[%dma_start3A_53, %dma_start3A_54] : memref<10000x128xf32, #tpu.memory_space<hbm>> -> memref<16x128xf32, #tpu.memory_space<hbm>>
        %dma_start3A_56 = arith.constant 9984 : i32
        %dma_start3A_57 = arith.constant 0 : i32
        %dma_start3A_58 = tpu.memref_slice %arg10[%dma_start3A_56, %dma_start3A_57] : memref<10000x128xf32, #tpu.memory_space<vmem_shared>> -> memref<16x128xf32, #tpu.memory_space<vmem_shared>>
        tpu.enqueue_dma source(%dma_start3A_58 : memref<16x128xf32, #tpu.memory_space<vmem_shared>>) target(%dma_start3A_55 : memref<16x128xf32, #tpu.memory_space<hbm>>) target_semaphore(%run_scoped3A : memref<!tpu.dma_semaphore, #tpu.memory_space<semaphore_mem>>)
        %dma_wait3A = arith.constant 0 : i32
        %dma_wait3A_59 = arith.constant 0 : i32
        %dma_wait3A_60 = tpu.memref_slice %arg5[%arg0, %dma_wait3A, %dma_wait3A_59] : memref<2x10000x128xf32, #tpu.memory_space<hbm>> -> memref<1x10000x128xf32, #tpu.memory_space<hbm>>
        %dma_wait3A_61 = tpu.memref_squeeze %dma_wait3A_60 : memref<1x10000x128xf32, #tpu.memory_space<hbm>> -> memref<10000x128xf32, #tpu.memory_space<hbm>>
        %dma_wait3A_62 = arith.constant 9984 : i32
        %dma_wait3A_63 = arith.constant 0 : i32
        %dma_wait3A_64 = tpu.memref_slice %dma_wait3A_61[%dma_wait3A_62, %dma_wait3A_63] : memref<10000x128xf32, #tpu.memory_space<hbm>> -> memref<16x128xf32, #tpu.memory_space<hbm>>
        %dma_wait3A_65 = arith.constant 9984 : i32
        %dma_wait3A_66 = arith.constant 0 : i32
        %dma_wait3A_67 = tpu.memref_slice %arg10[%dma_wait3A_65, %dma_wait3A_66] : memref<10000x128xf32, #tpu.memory_space<vmem_shared>> -> memref<16x128xf32, #tpu.memory_space<vmem_shared>>
        tpu.wait_dma2 semaphore(%run_scoped3A : memref<!tpu.dma_semaphore, #tpu.memory_space<semaphore_mem>>) src(%dma_wait3A_67 : memref<16x128xf32, #tpu.memory_space<vmem_shared>>) dst(%dma_wait3A_64 : memref<16x128xf32, #tpu.memory_space<hbm>>)
        tpu.yield
      }) : () -> ()
    } else {
    }
    return
  }
}

#map = affine_map<(d0, d1) -> (0, 0)>
#map1 = affine_map<(d0, d1) -> (0)>
module attributes {stable_mosaic.version = 14 : i64} {
  func.func @k(%arg0: i32, %arg1: i32, %arg2: memref<10000x128xf32, #tpu.memory_space<hbm>>, %arg3: memref<8192xi32, #tpu.memory_space<hbm>>, %arg4: memref<16xi32, #tpu.memory_space<hbm>>, %arg5: memref<4096xf32, #tpu.memory_space<hbm>>, %arg6: memref<1x128xi32, #tpu.memory_space<vmem>>, %arg7: memref<128x128xf32, #tpu.memory_space<vmem>>, %arg8: memref<1x128xf32, #tpu.memory_space<vmem>>, %arg9: memref<1x16xi32, #tpu.memory_space<vmem>>) attributes {dimension_semantics = [#tpu.dimension_semantics<core_parallel>, #tpu.dimension_semantics<subcore_parallel>], iteration_bounds = array<i64: 2, 16>, scalar_prefetch = 0 : i64, scratch_operands = 4 : i64, tpu.core_type = #tpu.core_type<sc_vector_subcore>, window_params = [{transform_indices = #map}, {transform_indices = #map1}, {transform_indices = #map1}, {transform_indices = #map1}]} {
    %mul3A = arith.constant 16 : i32
    %mul3A_0 = arith.muli %arg0, %mul3A : i32
    %add3A = arith.addi %mul3A_0, %arg1 : i32
    %jit3A = arith.constant 2 : i32
    %div3A = arith.divsi %add3A, %jit3A : i32
    %sign3A = arith.constant 0 : i32
    %sign3A_1 = arith.cmpi sgt, %add3A, %sign3A : i32
    %sign3A_2 = arith.extui %sign3A_1 : i1 to i32
    %sign3A_3 = arith.constant 0 : i32
    %sign3A_4 = arith.cmpi slt, %add3A, %sign3A_3 : i32
    %sign3A_5 = arith.extui %sign3A_4 : i1 to i32
    %sign3A_6 = arith.subi %sign3A_2, %sign3A_5 : i32
    %sign3A_7 = arith.constant 0 : i32
    %sign3A_8 = arith.cmpi sgt, %jit3A, %sign3A_7 : i32
    %sign3A_9 = arith.extui %sign3A_8 : i1 to i32
    %sign3A_10 = arith.constant 0 : i32
    %sign3A_11 = arith.cmpi slt, %jit3A, %sign3A_10 : i32
    %sign3A_12 = arith.extui %sign3A_11 : i1 to i32
    %sign3A_13 = arith.subi %sign3A_9, %sign3A_12 : i32
    %ne3A = arith.cmpi ne, %sign3A_6, %sign3A_13 : i32
    %rem3A = arith.remsi %add3A, %jit3A : i32
    %ne3A_14 = arith.constant 0 : i32
    %ne3A_15 = arith.cmpi ne, %rem3A, %ne3A_14 : i32
    %and3A = arith.andi %ne3A, %ne3A_15 : i1
    %sub3A = arith.constant 1 : i32
    %sub3A_16 = arith.subi %div3A, %sub3A : i32
    %select_n3A = arith.select %and3A, %sub3A_16, %div3A : i32
    %jit3A_17 = arith.constant 2 : i32
    %eq3A = arith.constant 0 : i32
    %eq3A_18 = arith.cmpi eq, %jit3A_17, %eq3A : i32
    %jit3A_19 = arith.constant 1 : i32
    %select_n3A_20 = arith.select %eq3A_18, %jit3A_19, %jit3A_17 : i32
    %rem3A_21 = arith.remsi %add3A, %select_n3A_20 : i32
    %ne3A_22 = arith.constant 0 : i32
    %ne3A_23 = arith.cmpi ne, %rem3A_21, %ne3A_22 : i32
    %lt3A = arith.constant 0 : i32
    %lt3A_24 = arith.cmpi slt, %rem3A_21, %lt3A : i32
    %lt3A_25 = arith.constant 0 : i32
    %lt3A_26 = arith.cmpi slt, %select_n3A_20, %lt3A_25 : i32
    %ne3A_27 = arith.xori %lt3A_24, %lt3A_26 : i1
    %and3A_28 = arith.andi %ne3A_27, %ne3A_23 : i1
    %add3A_29 = arith.addi %rem3A_21, %select_n3A_20 : i32
    %select_n3A_30 = arith.select %and3A_28, %add3A_29, %rem3A_21 : i32
    %mul3A_31 = arith.constant 256 : i32
    %mul3A_32 = arith.muli %select_n3A_30, %mul3A_31 : i32
    %run_scoped3A = arith.constant 0 : i32
    "tpu.region"() ({
      %run_scoped3A_105 = tpu.sem_alloc : memref<!tpu.dma_semaphore, #tpu.memory_space<semaphore_mem>>
      %dma_start3A = arith.constant 0 : i32
      %dma_start3A_106 = tpu.memref_slice %arg9[%run_scoped3A, %dma_start3A] : memref<1x16xi32, #tpu.memory_space<vmem>> -> memref<1x16xi32, #tpu.memory_space<vmem>>
      %dma_start3A_107 = tpu.memref_squeeze %dma_start3A_106 : memref<1x16xi32, #tpu.memory_space<vmem>> -> memref<16xi32, #tpu.memory_space<vmem>>
      %dma_start3A_108 = arith.constant 0 : i32
      %dma_start3A_109 = tpu.memref_slice %arg9[%run_scoped3A, %dma_start3A_108] : memref<1x16xi32, #tpu.memory_space<vmem>> -> memref<1x16xi32, #tpu.memory_space<vmem>>
      %dma_start3A_110 = tpu.memref_squeeze %dma_start3A_109 : memref<1x16xi32, #tpu.memory_space<vmem>> -> memref<16xi32, #tpu.memory_space<vmem>>
      tpu.enqueue_dma source(%arg4 : memref<16xi32, #tpu.memory_space<hbm>>) target(%dma_start3A_110 : memref<16xi32, #tpu.memory_space<vmem>>) target_semaphore(%run_scoped3A_105 : memref<!tpu.dma_semaphore, #tpu.memory_space<semaphore_mem>>)
      %dma_wait3A = arith.constant 0 : i32
      %dma_wait3A_111 = tpu.memref_slice %arg9[%run_scoped3A, %dma_wait3A] : memref<1x16xi32, #tpu.memory_space<vmem>> -> memref<1x16xi32, #tpu.memory_space<vmem>>
      %dma_wait3A_112 = tpu.memref_squeeze %dma_wait3A_111 : memref<1x16xi32, #tpu.memory_space<vmem>> -> memref<16xi32, #tpu.memory_space<vmem>>
      %dma_wait3A_113 = arith.constant 0 : i32
      %dma_wait3A_114 = tpu.memref_slice %arg9[%run_scoped3A, %dma_wait3A_113] : memref<1x16xi32, #tpu.memory_space<vmem>> -> memref<1x16xi32, #tpu.memory_space<vmem>>
      %dma_wait3A_115 = tpu.memref_squeeze %dma_wait3A_114 : memref<1x16xi32, #tpu.memory_space<vmem>> -> memref<16xi32, #tpu.memory_space<vmem>>
      tpu.wait_dma2 semaphore(%run_scoped3A_105 : memref<!tpu.dma_semaphore, #tpu.memory_space<semaphore_mem>>) src(%arg4 : memref<16xi32, #tpu.memory_space<hbm>>) dst(%dma_wait3A_115 : memref<16xi32, #tpu.memory_space<vmem>>)
      tpu.yield
    }) : () -> ()
    %iota3A = tpu.iota {dimensions = array<i32: 0>} : vector<16xi32>
    %eq3A_33 = vector.broadcast %select_n3A : i32 to vector<16xi32>
    %eq3A_34 = arith.cmpi eq, %iota3A, %eq3A_33 : vector<16xi32>
    %get3A = arith.constant 0 : i32
    %get3A_35 = arith.index_cast %get3A : i32 to index
    %get3A_36 = arith.constant 0 : index
    %get3A_37 = tpu.vector_load %arg9[%get3A_35, %get3A_36] {strides = array<i32>} : memref<1x16xi32, #tpu.memory_space<vmem>>, vector<16xi32>,
    %jit3A_38 = arith.constant 0 : i32
    %broadcast_in_dim3A = vector.broadcast %jit3A_38 : i32 to vector<16xi32>
    %select_n3A_39 = arith.select %eq3A_34, %get3A_37, %broadcast_in_dim3A : vector<16xi1>, vector<16xi32>
    %reduce_sum3A = arith.constant true
    %reduce_sum3A_40 = vector.broadcast %reduce_sum3A : i1 to vector<16xi1>
    %reduce_sum3A_41 = tpu.scan <sum>, %select_n3A_39 masked %reduce_sum3A_40 : vector<16xi32>, vector<16xi1> -> vector<16xi32>
    %reduce_sum3A_42 = vector.extract %reduce_sum3A_41[15] : i32 from vector<16xi32>
    %sub3A_43 = arith.constant 1 : i32
    %sub3A_44 = arith.subi %reduce_sum3A_42, %sub3A_43 : i32
    %sub3A_45 = arith.subi %sub3A_44, %mul3A_32 : i32
    %jit3A_46 = arith.constant 0 : i32
    %jit3A_47 = arith.constant 256 : i32
    %max3A = arith.maxsi %jit3A_46, %sub3A_45 : i32
    %min3A = arith.minsi %jit3A_47, %max3A : i32
    %broadcast_in_dim3A_48 = arith.constant 0.000000e+00 : f32
    %broadcast_in_dim3A_49 = vector.broadcast %broadcast_in_dim3A_48 : f32 to vector<16xf32>
    %swap3A = arith.constant 0 : i32
    %swap3A_50 = arith.index_cast %swap3A : i32 to index
    %swap3A_51 = arith.constant 0 : index
    %swap3A_52 = tpu.vector_load %arg8[%swap3A_50, %swap3A_51] {strides = array<i32>} : memref<1x128xf32, #tpu.memory_space<vmem>>, vector<16xf32>,
    tpu.vector_store %arg8[%swap3A_50, %swap3A_51], %broadcast_in_dim3A_49 {strides = array<i32>} : memref<1x128xf32, #tpu.memory_space<vmem>>, vector<16xf32>,
    %broadcast_in_dim3A_53 = arith.constant 0.000000e+00 : f32
    %broadcast_in_dim3A_54 = vector.broadcast %broadcast_in_dim3A_53 : f32 to vector<16xf32>
    %swap3A_55 = arith.constant 0 : i32
    %swap3A_56 = arith.index_cast %swap3A_55 : i32 to index
    %swap3A_57 = arith.constant 16 : index
    %swap3A_58 = tpu.vector_load %arg8[%swap3A_56, %swap3A_57] {strides = array<i32>} : memref<1x128xf32, #tpu.memory_space<vmem>>, vector<16xf32>,
    tpu.vector_store %arg8[%swap3A_56, %swap3A_57], %broadcast_in_dim3A_54 {strides = array<i32>} : memref<1x128xf32, #tpu.memory_space<vmem>>, vector<16xf32>,
    %broadcast_in_dim3A_59 = arith.constant 0.000000e+00 : f32
    %broadcast_in_dim3A_60 = vector.broadcast %broadcast_in_dim3A_59 : f32 to vector<16xf32>
    %swap3A_61 = arith.constant 0 : i32
    %swap3A_62 = arith.index_cast %swap3A_61 : i32 to index
    %swap3A_63 = arith.constant 32 : index
    %swap3A_64 = tpu.vector_load %arg8[%swap3A_62, %swap3A_63] {strides = array<i32>} : memref<1x128xf32, #tpu.memory_space<vmem>>, vector<16xf32>,
    tpu.vector_store %arg8[%swap3A_62, %swap3A_63], %broadcast_in_dim3A_60 {strides = array<i32>} : memref<1x128xf32, #tpu.memory_space<vmem>>, vector<16xf32>,
    %broadcast_in_dim3A_65 = arith.constant 0.000000e+00 : f32
    %broadcast_in_dim3A_66 = vector.broadcast %broadcast_in_dim3A_65 : f32 to vector<16xf32>
    %swap3A_67 = arith.constant 0 : i32
    %swap3A_68 = arith.index_cast %swap3A_67 : i32 to index
    %swap3A_69 = arith.constant 48 : index
    %swap3A_70 = tpu.vector_load %arg8[%swap3A_68, %swap3A_69] {strides = array<i32>} : memref<1x128xf32, #tpu.memory_space<vmem>>, vector<16xf32>,
    tpu.vector_store %arg8[%swap3A_68, %swap3A_69], %broadcast_in_dim3A_66 {strides = array<i32>} : memref<1x128xf32, #tpu.memory_space<vmem>>, vector<16xf32>,
    %broadcast_in_dim3A_71 = arith.constant 0.000000e+00 : f32
    %broadcast_in_dim3A_72 = vector.broadcast %broadcast_in_dim3A_71 : f32 to vector<16xf32>
    %swap3A_73 = arith.constant 0 : i32
    %swap3A_74 = arith.index_cast %swap3A_73 : i32 to index
    %swap3A_75 = arith.constant 64 : index
    %swap3A_76 = tpu.vector_load %arg8[%swap3A_74, %swap3A_75] {strides = array<i32>} : memref<1x128xf32, #tpu.memory_space<vmem>>, vector<16xf32>,
    tpu.vector_store %arg8[%swap3A_74, %swap3A_75], %broadcast_in_dim3A_72 {strides = array<i32>} : memref<1x128xf32, #tpu.memory_space<vmem>>, vector<16xf32>,
    %broadcast_in_dim3A_77 = arith.constant 0.000000e+00 : f32
    %broadcast_in_dim3A_78 = vector.broadcast %broadcast_in_dim3A_77 : f32 to vector<16xf32>
    %swap3A_79 = arith.constant 0 : i32
    %swap3A_80 = arith.index_cast %swap3A_79 : i32 to index
    %swap3A_81 = arith.constant 80 : index
    %swap3A_82 = tpu.vector_load %arg8[%swap3A_80, %swap3A_81] {strides = array<i32>} : memref<1x128xf32, #tpu.memory_space<vmem>>, vector<16xf32>,
    tpu.vector_store %arg8[%swap3A_80, %swap3A_81], %broadcast_in_dim3A_78 {strides = array<i32>} : memref<1x128xf32, #tpu.memory_space<vmem>>, vector<16xf32>,
    %broadcast_in_dim3A_83 = arith.constant 0.000000e+00 : f32
    %broadcast_in_dim3A_84 = vector.broadcast %broadcast_in_dim3A_83 : f32 to vector<16xf32>
    %swap3A_85 = arith.constant 0 : i32
    %swap3A_86 = arith.index_cast %swap3A_85 : i32 to index
    %swap3A_87 = arith.constant 96 : index
    %swap3A_88 = tpu.vector_load %arg8[%swap3A_86, %swap3A_87] {strides = array<i32>} : memref<1x128xf32, #tpu.memory_space<vmem>>, vector<16xf32>,
    tpu.vector_store %arg8[%swap3A_86, %swap3A_87], %broadcast_in_dim3A_84 {strides = array<i32>} : memref<1x128xf32, #tpu.memory_space<vmem>>, vector<16xf32>,
    %broadcast_in_dim3A_89 = arith.constant 0.000000e+00 : f32
    %broadcast_in_dim3A_90 = vector.broadcast %broadcast_in_dim3A_89 : f32 to vector<16xf32>
    %swap3A_91 = arith.constant 0 : i32
    %swap3A_92 = arith.index_cast %swap3A_91 : i32 to index
    %swap3A_93 = arith.constant 112 : index
    %swap3A_94 = tpu.vector_load %arg8[%swap3A_92, %swap3A_93] {strides = array<i32>} : memref<1x128xf32, #tpu.memory_space<vmem>>, vector<16xf32>,
    tpu.vector_store %arg8[%swap3A_92, %swap3A_93], %broadcast_in_dim3A_90 {strides = array<i32>} : memref<1x128xf32, #tpu.memory_space<vmem>>, vector<16xf32>,
    %gt3A = arith.constant 0 : i32
    %gt3A_95 = arith.cmpi sgt, %min3A, %gt3A : i32
    %convert_element_type3A = arith.extui %gt3A_95 : i1 to i32
    %cond3A = arith.constant 0 : i32
    %cond3A_96 = arith.cmpi ne, %convert_element_type3A, %cond3A : i32
    scf.if %cond3A_96 {
      %mul3A_105 = arith.constant 512 : i32
      %mul3A_106 = arith.muli %select_n3A, %mul3A_105 : i32
      %add3A_107 = arith.addi %mul3A_106, %mul3A_32 : i32
      %add3A_108 = arith.constant 0 : i32
      %add3A_109 = arith.addi %add3A_107, %add3A_108 : i32
      %run_scoped3A_110 = arith.constant 0 : i32
      "tpu.region"() ({
        %run_scoped3A_116 = tpu.sem_alloc : memref<!tpu.dma_semaphore, #tpu.memory_space<semaphore_mem>>
        %dma_start3A = arith.constant 0 : i32
        %dma_start3A_117 = tpu.memref_slice %arg6[%run_scoped3A_110, %dma_start3A] : memref<1x128xi32, #tpu.memory_space<vmem>> -> memref<1x128xi32, #tpu.memory_space<vmem>>
        %dma_start3A_118 = tpu.memref_squeeze %dma_start3A_117 : memref<1x128xi32, #tpu.memory_space<vmem>> -> memref<128xi32, #tpu.memory_space<vmem>>
        %dma_start3A_119 = tpu.memref_slice %arg3[%add3A_109] : memref<8192xi32, #tpu.memory_space<hbm>> -> memref<128xi32, #tpu.memory_space<hbm>>
        %dma_start3A_120 = arith.constant 0 : i32
        %dma_start3A_121 = tpu.memref_slice %arg6[%run_scoped3A_110, %dma_start3A_120] : memref<1x128xi32, #tpu.memory_space<vmem>> -> memref<1x128xi32, #tpu.memory_space<vmem>>
        %dma_start3A_122 = tpu.memref_squeeze %dma_start3A_121 : memref<1x128xi32, #tpu.memory_space<vmem>> -> memref<128xi32, #tpu.memory_space<vmem>>
        %dma_start3A_123 = tpu.memref_slice %arg3[%add3A_109] : memref<8192xi32, #tpu.memory_space<hbm>> -> memref<128xi32, #tpu.memory_space<hbm>>
        tpu.enqueue_dma source(%dma_start3A_123 : memref<128xi32, #tpu.memory_space<hbm>>) target(%dma_start3A_122 : memref<128xi32, #tpu.memory_space<vmem>>) target_semaphore(%run_scoped3A_116 : memref<!tpu.dma_semaphore, #tpu.memory_space<semaphore_mem>>)
        %dma_wait3A = arith.constant 0 : i32
        %dma_wait3A_124 = tpu.memref_slice %arg6[%run_scoped3A_110, %dma_wait3A] : memref<1x128xi32, #tpu.memory_space<vmem>> -> memref<1x128xi32, #tpu.memory_space<vmem>>
        %dma_wait3A_125 = tpu.memref_squeeze %dma_wait3A_124 : memref<1x128xi32, #tpu.memory_space<vmem>> -> memref<128xi32, #tpu.memory_space<vmem>>
        %dma_wait3A_126 = tpu.memref_slice %arg3[%add3A_109] : memref<8192xi32, #tpu.memory_space<hbm>> -> memref<128xi32, #tpu.memory_space<hbm>>
        %dma_wait3A_127 = arith.constant 0 : i32
        %dma_wait3A_128 = tpu.memref_slice %arg6[%run_scoped3A_110, %dma_wait3A_127] : memref<1x128xi32, #tpu.memory_space<vmem>> -> memref<1x128xi32, #tpu.memory_space<vmem>>
        %dma_wait3A_129 = tpu.memref_squeeze %dma_wait3A_128 : memref<1x128xi32, #tpu.memory_space<vmem>> -> memref<128xi32, #tpu.memory_space<vmem>>
        %dma_wait3A_130 = tpu.memref_slice %arg3[%add3A_109] : memref<8192xi32, #tpu.memory_space<hbm>> -> memref<128xi32, #tpu.memory_space<hbm>>
        tpu.wait_dma2 semaphore(%run_scoped3A_116 : memref<!tpu.dma_semaphore, #tpu.memory_space<semaphore_mem>>) src(%dma_wait3A_130 : memref<128xi32, #tpu.memory_space<hbm>>) dst(%dma_wait3A_129 : memref<128xi32, #tpu.memory_space<vmem>>)
        tpu.yield
      }) : () -> ()
      %run_scoped3A_111 = arith.constant 0 : i32
      "tpu.region"() ({
        %run_scoped3A_116 = tpu.sem_alloc : memref<!tpu.dma_semaphore, #tpu.memory_space<semaphore_mem>>
        %dma_start3A = arith.constant 0 : i32
        %dma_start3A_117 = tpu.memref_slice %arg6[%run_scoped3A_111, %dma_start3A] : memref<1x128xi32, #tpu.memory_space<vmem>> -> memref<1x128xi32, #tpu.memory_space<vmem>>
        %dma_start3A_118 = tpu.memref_squeeze %dma_start3A_117 : memref<1x128xi32, #tpu.memory_space<vmem>> -> memref<128xi32, #tpu.memory_space<vmem>>
        %dma_start3A_119 = arith.constant 0 : i32
        %dma_start3A_120 = arith.constant 0 : i32
        %dma_start3A_121 = tpu.memref_slice %arg2[%dma_start3A_119, %dma_start3A_120] : memref<10000x128xf32, #tpu.memory_space<hbm>> -> memref<10000x128xf32, #tpu.memory_space<hbm>>
        tpu.enqueue_indirect_dma source(%dma_start3A_121 : memref<10000x128xf32, #tpu.memory_space<hbm>>) target(%arg7 : memref<128x128xf32, #tpu.memory_space<vmem>>) offsets(%dma_start3A_118 : memref<128xi32, #tpu.memory_space<vmem>>) semaphore(%run_scoped3A_116 : memref<!tpu.dma_semaphore, #tpu.memory_space<semaphore_mem>>)
        %dma_wait3A = arith.constant 0 : i32
        %dma_wait3A_122 = tpu.memref_slice %arg6[%run_scoped3A_111, %dma_wait3A] : memref<1x128xi32, #tpu.memory_space<vmem>> -> memref<1x128xi32, #tpu.memory_space<vmem>>
        %dma_wait3A_123 = tpu.memref_squeeze %dma_wait3A_122 : memref<1x128xi32, #tpu.memory_space<vmem>> -> memref<128xi32, #tpu.memory_space<vmem>>
        %dma_wait3A_124 = arith.constant 0 : i32
        %dma_wait3A_125 = arith.constant 0 : i32
        %dma_wait3A_126 = tpu.memref_slice %arg2[%dma_wait3A_124, %dma_wait3A_125] : memref<10000x128xf32, #tpu.memory_space<hbm>> -> memref<10000x128xf32, #tpu.memory_space<hbm>>
        tpu.wait_indirect_dma semaphore(%run_scoped3A_116 : memref<!tpu.dma_semaphore, #tpu.memory_space<semaphore_mem>>) src(%dma_wait3A_126 : memref<10000x128xf32, #tpu.memory_space<hbm>>) dst(%arg7 : memref<128x128xf32, #tpu.memory_space<vmem>>)
        tpu.yield
      }) : () -> ()
      %scan3A = arith.constant 0 : i32
      %scan3A_112 = arith.constant 128 : i32
      %scan3A_113 = arith.addi %scan3A, %scan3A_112 : i32
      %scan3A_114 = arith.constant 1 : i32
      scf.for %scan3A_116 = %scan3A to %scan3A_113 step %scan3A_114  : i32 {
        %mul3A_117 = arith.constant 1 : i32
        %mul3A_118 = arith.muli %scan3A_116, %mul3A_117 : i32
        %add3A_119 = arith.constant 0 : i32
        %add3A_120 = arith.addi %add3A_119, %mul3A_118 : i32
        %add3A_121 = arith.constant 0 : i32
        %add3A_122 = arith.addi %add3A_121, %add3A_120 : i32
        %lt3A_123 = arith.cmpi slt, %add3A_122, %min3A : i32
        %convert_element_type3A_124 = arith.extui %lt3A_123 : i1 to i32
        %cond3A_125 = arith.constant 0 : i32
        %cond3A_126 = arith.cmpi ne, %convert_element_type3A_124, %cond3A_125 : i32
        scf.if %cond3A_126 {
          %get3A_127 = arith.constant 0 : i32
          %get3A_128 = arith.index_cast %get3A_127 : i32 to index
          %get3A_129 = arith.constant 0 : index
          %get3A_130 = tpu.vector_load %arg8[%get3A_128, %get3A_129] {strides = array<i32>} : memref<1x128xf32, #tpu.memory_space<vmem>>, vector<16xf32>,
          %get3A_131 = arith.index_cast %add3A_120 : i32 to index
          %get3A_132 = arith.constant 0 : index
          %get3A_133 = tpu.vector_load %arg7[%get3A_131, %get3A_132] {strides = array<i32>} : memref<128x128xf32, #tpu.memory_space<vmem>>, vector<16xf32>,
          %add3A_134 = arith.addf %get3A_130, %get3A_133 : vector<16xf32>
          %swap3A_135 = arith.constant 0 : i32
          %swap3A_136 = arith.index_cast %swap3A_135 : i32 to index
          %swap3A_137 = arith.constant 0 : index
          %swap3A_138 = tpu.vector_load %arg8[%swap3A_136, %swap3A_137] {strides = array<i32>} : memref<1x128xf32, #tpu.memory_space<vmem>>, vector<16xf32>,
          tpu.vector_store %arg8[%swap3A_136, %swap3A_137], %add3A_134 {strides = array<i32>} : memref<1x128xf32, #tpu.memory_space<vmem>>, vector<16xf32>,
          %get3A_139 = arith.constant 0 : i32
          %get3A_140 = arith.index_cast %get3A_139 : i32 to index
          %get3A_141 = arith.constant 16 : index
          %get3A_142 = tpu.vector_load %arg8[%get3A_140, %get3A_141] {strides = array<i32>} : memref<1x128xf32, #tpu.memory_space<vmem>>, vector<16xf32>,
          %get3A_143 = arith.index_cast %add3A_120 : i32 to index
          %get3A_144 = arith.constant 16 : index
          %get3A_145 = tpu.vector_load %arg7[%get3A_143, %get3A_144] {strides = array<i32>} : memref<128x128xf32, #tpu.memory_space<vmem>>, vector<16xf32>,
          %add3A_146 = arith.addf %get3A_142, %get3A_145 : vector<16xf32>
          %swap3A_147 = arith.constant 0 : i32
          %swap3A_148 = arith.index_cast %swap3A_147 : i32 to index
          %swap3A_149 = arith.constant 16 : index
          %swap3A_150 = tpu.vector_load %arg8[%swap3A_148, %swap3A_149] {strides = array<i32>} : memref<1x128xf32, #tpu.memory_space<vmem>>, vector<16xf32>,
          tpu.vector_store %arg8[%swap3A_148, %swap3A_149], %add3A_146 {strides = array<i32>} : memref<1x128xf32, #tpu.memory_space<vmem>>, vector<16xf32>,
          %get3A_151 = arith.constant 0 : i32
          %get3A_152 = arith.index_cast %get3A_151 : i32 to index
          %get3A_153 = arith.constant 32 : index
          %get3A_154 = tpu.vector_load %arg8[%get3A_152, %get3A_153] {strides = array<i32>} : memref<1x128xf32, #tpu.memory_space<vmem>>, vector<16xf32>,
          %get3A_155 = arith.index_cast %add3A_120 : i32 to index
          %get3A_156 = arith.constant 32 : index
          %get3A_157 = tpu.vector_load %arg7[%get3A_155, %get3A_156] {strides = array<i32>} : memref<128x128xf32, #tpu.memory_space<vmem>>, vector<16xf32>,
          %add3A_158 = arith.addf %get3A_154, %get3A_157 : vector<16xf32>
          %swap3A_159 = arith.constant 0 : i32
          %swap3A_160 = arith.index_cast %swap3A_159 : i32 to index
          %swap3A_161 = arith.constant 32 : index
          %swap3A_162 = tpu.vector_load %arg8[%swap3A_160, %swap3A_161] {strides = array<i32>} : memref<1x128xf32, #tpu.memory_space<vmem>>, vector<16xf32>,
          tpu.vector_store %arg8[%swap3A_160, %swap3A_161], %add3A_158 {strides = array<i32>} : memref<1x128xf32, #tpu.memory_space<vmem>>, vector<16xf32>,
          %get3A_163 = arith.constant 0 : i32
          %get3A_164 = arith.index_cast %get3A_163 : i32 to index
          %get3A_165 = arith.constant 48 : index
          %get3A_166 = tpu.vector_load %arg8[%get3A_164, %get3A_165] {strides = array<i32>} : memref<1x128xf32, #tpu.memory_space<vmem>>, vector<16xf32>,
          %get3A_167 = arith.index_cast %add3A_120 : i32 to index
          %get3A_168 = arith.constant 48 : index
          %get3A_169 = tpu.vector_load %arg7[%get3A_167, %get3A_168] {strides = array<i32>} : memref<128x128xf32, #tpu.memory_space<vmem>>, vector<16xf32>,
          %add3A_170 = arith.addf %get3A_166, %get3A_169 : vector<16xf32>
          %swap3A_171 = arith.constant 0 : i32
          %swap3A_172 = arith.index_cast %swap3A_171 : i32 to index
          %swap3A_173 = arith.constant 48 : index
          %swap3A_174 = tpu.vector_load %arg8[%swap3A_172, %swap3A_173] {strides = array<i32>} : memref<1x128xf32, #tpu.memory_space<vmem>>, vector<16xf32>,
          tpu.vector_store %arg8[%swap3A_172, %swap3A_173], %add3A_170 {strides = array<i32>} : memref<1x128xf32, #tpu.memory_space<vmem>>, vector<16xf32>,
          %get3A_175 = arith.constant 0 : i32
          %get3A_176 = arith.index_cast %get3A_175 : i32 to index
          %get3A_177 = arith.constant 64 : index
          %get3A_178 = tpu.vector_load %arg8[%get3A_176, %get3A_177] {strides = array<i32>} : memref<1x128xf32, #tpu.memory_space<vmem>>, vector<16xf32>,
          %get3A_179 = arith.index_cast %add3A_120 : i32 to index
          %get3A_180 = arith.constant 64 : index
          %get3A_181 = tpu.vector_load %arg7[%get3A_179, %get3A_180] {strides = array<i32>} : memref<128x128xf32, #tpu.memory_space<vmem>>, vector<16xf32>,
          %add3A_182 = arith.addf %get3A_178, %get3A_181 : vector<16xf32>
          %swap3A_183 = arith.constant 0 : i32
          %swap3A_184 = arith.index_cast %swap3A_183 : i32 to index
          %swap3A_185 = arith.constant 64 : index
          %swap3A_186 = tpu.vector_load %arg8[%swap3A_184, %swap3A_185] {strides = array<i32>} : memref<1x128xf32, #tpu.memory_space<vmem>>, vector<16xf32>,
          tpu.vector_store %arg8[%swap3A_184, %swap3A_185], %add3A_182 {strides = array<i32>} : memref<1x128xf32, #tpu.memory_space<vmem>>, vector<16xf32>,
          %get3A_187 = arith.constant 0 : i32
          %get3A_188 = arith.index_cast %get3A_187 : i32 to index
          %get3A_189 = arith.constant 80 : index
          %get3A_190 = tpu.vector_load %arg8[%get3A_188, %get3A_189] {strides = array<i32>} : memref<1x128xf32, #tpu.memory_space<vmem>>, vector<16xf32>,
          %get3A_191 = arith.index_cast %add3A_120 : i32 to index
          %get3A_192 = arith.constant 80 : index
          %get3A_193 = tpu.vector_load %arg7[%get3A_191, %get3A_192] {strides = array<i32>} : memref<128x128xf32, #tpu.memory_space<vmem>>, vector<16xf32>,
          %add3A_194 = arith.addf %get3A_190, %get3A_193 : vector<16xf32>
          %swap3A_195 = arith.constant 0 : i32
          %swap3A_196 = arith.index_cast %swap3A_195 : i32 to index
          %swap3A_197 = arith.constant 80 : index
          %swap3A_198 = tpu.vector_load %arg8[%swap3A_196, %swap3A_197] {strides = array<i32>} : memref<1x128xf32, #tpu.memory_space<vmem>>, vector<16xf32>,
          tpu.vector_store %arg8[%swap3A_196, %swap3A_197], %add3A_194 {strides = array<i32>} : memref<1x128xf32, #tpu.memory_space<vmem>>, vector<16xf32>,
          %get3A_199 = arith.constant 0 : i32
          %get3A_200 = arith.index_cast %get3A_199 : i32 to index
          %get3A_201 = arith.constant 96 : index
          %get3A_202 = tpu.vector_load %arg8[%get3A_200, %get3A_201] {strides = array<i32>} : memref<1x128xf32, #tpu.memory_space<vmem>>, vector<16xf32>,
          %get3A_203 = arith.index_cast %add3A_120 : i32 to index
          %get3A_204 = arith.constant 96 : index
          %get3A_205 = tpu.vector_load %arg7[%get3A_203, %get3A_204] {strides = array<i32>} : memref<128x128xf32, #tpu.memory_space<vmem>>, vector<16xf32>,
          %add3A_206 = arith.addf %get3A_202, %get3A_205 : vector<16xf32>
          %swap3A_207 = arith.constant 0 : i32
          %swap3A_208 = arith.index_cast %swap3A_207 : i32 to index
          %swap3A_209 = arith.constant 96 : index
          %swap3A_210 = tpu.vector_load %arg8[%swap3A_208, %swap3A_209] {strides = array<i32>} : memref<1x128xf32, #tpu.memory_space<vmem>>, vector<16xf32>,
          tpu.vector_store %arg8[%swap3A_208, %swap3A_209], %add3A_206 {strides = array<i32>} : memref<1x128xf32, #tpu.memory_space<vmem>>, vector<16xf32>,
          %get3A_211 = arith.constant 0 : i32
          %get3A_212 = arith.index_cast %get3A_211 : i32 to index
          %get3A_213 = arith.constant 112 : index
          %get3A_214 = tpu.vector_load %arg8[%get3A_212, %get3A_213] {strides = array<i32>} : memref<1x128xf32, #tpu.memory_space<vmem>>, vector<16xf32>,
          %get3A_215 = arith.index_cast %add3A_120 : i32 to index
          %get3A_216 = arith.constant 112 : index
          %get3A_217 = tpu.vector_load %arg7[%get3A_215, %get3A_216] {strides = array<i32>} : memref<128x128xf32, #tpu.memory_space<vmem>>, vector<16xf32>,
          %add3A_218 = arith.addf %get3A_214, %get3A_217 : vector<16xf32>
          %swap3A_219 = arith.constant 0 : i32
          %swap3A_220 = arith.index_cast %swap3A_219 : i32 to index
          %swap3A_221 = arith.constant 112 : index
          %swap3A_222 = tpu.vector_load %arg8[%swap3A_220, %swap3A_221] {strides = array<i32>} : memref<1x128xf32, #tpu.memory_space<vmem>>, vector<16xf32>,
          tpu.vector_store %arg8[%swap3A_220, %swap3A_221], %add3A_218 {strides = array<i32>} : memref<1x128xf32, #tpu.memory_space<vmem>>, vector<16xf32>,
        } else {
        }
      }
      %scan3A_115 = arith.constant 128 : i32
    } else {
    }
    %gt3A_97 = arith.constant 128 : i32
    %gt3A_98 = arith.cmpi sgt, %min3A, %gt3A_97 : i32
    %convert_element_type3A_99 = arith.extui %gt3A_98 : i1 to i32
    %cond3A_100 = arith.constant 0 : i32
    %cond3A_101 = arith.cmpi ne, %convert_element_type3A_99, %cond3A_100 : i32
    scf.if %cond3A_101 {
      %mul3A_105 = arith.constant 512 : i32
      %mul3A_106 = arith.muli %select_n3A, %mul3A_105 : i32
      %add3A_107 = arith.addi %mul3A_106, %mul3A_32 : i32
      %add3A_108 = arith.constant 128 : i32
      %add3A_109 = arith.addi %add3A_107, %add3A_108 : i32
      %run_scoped3A_110 = arith.constant 0 : i32
      "tpu.region"() ({
        %run_scoped3A_116 = tpu.sem_alloc : memref<!tpu.dma_semaphore, #tpu.memory_space<semaphore_mem>>
        %dma_start3A = arith.constant 0 : i32
        %dma_start3A_117 = tpu.memref_slice %arg6[%run_scoped3A_110, %dma_start3A] : memref<1x128xi32, #tpu.memory_space<vmem>> -> memref<1x128xi32, #tpu.memory_space<vmem>>
        %dma_start3A_118 = tpu.memref_squeeze %dma_start3A_117 : memref<1x128xi32, #tpu.memory_space<vmem>> -> memref<128xi32, #tpu.memory_space<vmem>>
        %dma_start3A_119 = tpu.memref_slice %arg3[%add3A_109] : memref<8192xi32, #tpu.memory_space<hbm>> -> memref<128xi32, #tpu.memory_space<hbm>>
        %dma_start3A_120 = arith.constant 0 : i32
        %dma_start3A_121 = tpu.memref_slice %arg6[%run_scoped3A_110, %dma_start3A_120] : memref<1x128xi32, #tpu.memory_space<vmem>> -> memref<1x128xi32, #tpu.memory_space<vmem>>
        %dma_start3A_122 = tpu.memref_squeeze %dma_start3A_121 : memref<1x128xi32, #tpu.memory_space<vmem>> -> memref<128xi32, #tpu.memory_space<vmem>>
        %dma_start3A_123 = tpu.memref_slice %arg3[%add3A_109] : memref<8192xi32, #tpu.memory_space<hbm>> -> memref<128xi32, #tpu.memory_space<hbm>>
        tpu.enqueue_dma source(%dma_start3A_123 : memref<128xi32, #tpu.memory_space<hbm>>) target(%dma_start3A_122 : memref<128xi32, #tpu.memory_space<vmem>>) target_semaphore(%run_scoped3A_116 : memref<!tpu.dma_semaphore, #tpu.memory_space<semaphore_mem>>)
        %dma_wait3A = arith.constant 0 : i32
        %dma_wait3A_124 = tpu.memref_slice %arg6[%run_scoped3A_110, %dma_wait3A] : memref<1x128xi32, #tpu.memory_space<vmem>> -> memref<1x128xi32, #tpu.memory_space<vmem>>
        %dma_wait3A_125 = tpu.memref_squeeze %dma_wait3A_124 : memref<1x128xi32, #tpu.memory_space<vmem>> -> memref<128xi32, #tpu.memory_space<vmem>>
        %dma_wait3A_126 = tpu.memref_slice %arg3[%add3A_109] : memref<8192xi32, #tpu.memory_space<hbm>> -> memref<128xi32, #tpu.memory_space<hbm>>
        %dma_wait3A_127 = arith.constant 0 : i32
        %dma_wait3A_128 = tpu.memref_slice %arg6[%run_scoped3A_110, %dma_wait3A_127] : memref<1x128xi32, #tpu.memory_space<vmem>> -> memref<1x128xi32, #tpu.memory_space<vmem>>
        %dma_wait3A_129 = tpu.memref_squeeze %dma_wait3A_128 : memref<1x128xi32, #tpu.memory_space<vmem>> -> memref<128xi32, #tpu.memory_space<vmem>>
        %dma_wait3A_130 = tpu.memref_slice %arg3[%add3A_109] : memref<8192xi32, #tpu.memory_space<hbm>> -> memref<128xi32, #tpu.memory_space<hbm>>
        tpu.wait_dma2 semaphore(%run_scoped3A_116 : memref<!tpu.dma_semaphore, #tpu.memory_space<semaphore_mem>>) src(%dma_wait3A_130 : memref<128xi32, #tpu.memory_space<hbm>>) dst(%dma_wait3A_129 : memref<128xi32, #tpu.memory_space<vmem>>)
        tpu.yield
      }) : () -> ()
      %run_scoped3A_111 = arith.constant 0 : i32
      "tpu.region"() ({
        %run_scoped3A_116 = tpu.sem_alloc : memref<!tpu.dma_semaphore, #tpu.memory_space<semaphore_mem>>
        %dma_start3A = arith.constant 0 : i32
        %dma_start3A_117 = tpu.memref_slice %arg6[%run_scoped3A_111, %dma_start3A] : memref<1x128xi32, #tpu.memory_space<vmem>> -> memref<1x128xi32, #tpu.memory_space<vmem>>
        %dma_start3A_118 = tpu.memref_squeeze %dma_start3A_117 : memref<1x128xi32, #tpu.memory_space<vmem>> -> memref<128xi32, #tpu.memory_space<vmem>>
        %dma_start3A_119 = arith.constant 0 : i32
        %dma_start3A_120 = arith.constant 0 : i32
        %dma_start3A_121 = tpu.memref_slice %arg2[%dma_start3A_119, %dma_start3A_120] : memref<10000x128xf32, #tpu.memory_space<hbm>> -> memref<10000x128xf32, #tpu.memory_space<hbm>>
        tpu.enqueue_indirect_dma source(%dma_start3A_121 : memref<10000x128xf32, #tpu.memory_space<hbm>>) target(%arg7 : memref<128x128xf32, #tpu.memory_space<vmem>>) offsets(%dma_start3A_118 : memref<128xi32, #tpu.memory_space<vmem>>) semaphore(%run_scoped3A_116 : memref<!tpu.dma_semaphore, #tpu.memory_space<semaphore_mem>>)
        %dma_wait3A = arith.constant 0 : i32
        %dma_wait3A_122 = tpu.memref_slice %arg6[%run_scoped3A_111, %dma_wait3A] : memref<1x128xi32, #tpu.memory_space<vmem>> -> memref<1x128xi32, #tpu.memory_space<vmem>>
        %dma_wait3A_123 = tpu.memref_squeeze %dma_wait3A_122 : memref<1x128xi32, #tpu.memory_space<vmem>> -> memref<128xi32, #tpu.memory_space<vmem>>
        %dma_wait3A_124 = arith.constant 0 : i32
        %dma_wait3A_125 = arith.constant 0 : i32
        %dma_wait3A_126 = tpu.memref_slice %arg2[%dma_wait3A_124, %dma_wait3A_125] : memref<10000x128xf32, #tpu.memory_space<hbm>> -> memref<10000x128xf32, #tpu.memory_space<hbm>>
        tpu.wait_indirect_dma semaphore(%run_scoped3A_116 : memref<!tpu.dma_semaphore, #tpu.memory_space<semaphore_mem>>) src(%dma_wait3A_126 : memref<10000x128xf32, #tpu.memory_space<hbm>>) dst(%arg7 : memref<128x128xf32, #tpu.memory_space<vmem>>)
        tpu.yield
      }) : () -> ()
      %scan3A = arith.constant 0 : i32
      %scan3A_112 = arith.constant 128 : i32
      %scan3A_113 = arith.addi %scan3A, %scan3A_112 : i32
      %scan3A_114 = arith.constant 1 : i32
      scf.for %scan3A_116 = %scan3A to %scan3A_113 step %scan3A_114  : i32 {
        %mul3A_117 = arith.constant 1 : i32
        %mul3A_118 = arith.muli %scan3A_116, %mul3A_117 : i32
        %add3A_119 = arith.constant 0 : i32
        %add3A_120 = arith.addi %add3A_119, %mul3A_118 : i32
        %add3A_121 = arith.constant 128 : i32
        %add3A_122 = arith.addi %add3A_121, %add3A_120 : i32
        %lt3A_123 = arith.cmpi slt, %add3A_122, %min3A : i32
        %convert_element_type3A_124 = arith.extui %lt3A_123 : i1 to i32
        %cond3A_125 = arith.constant 0 : i32
        %cond3A_126 = arith.cmpi ne, %convert_element_type3A_124, %cond3A_125 : i32
        scf.if %cond3A_126 {
          %get3A_127 = arith.constant 0 : i32
          %get3A_128 = arith.index_cast %get3A_127 : i32 to index
          %get3A_129 = arith.constant 0 : index
          %get3A_130 = tpu.vector_load %arg8[%get3A_128, %get3A_129] {strides = array<i32>} : memref<1x128xf32, #tpu.memory_space<vmem>>, vector<16xf32>,
          %get3A_131 = arith.index_cast %add3A_120 : i32 to index
          %get3A_132 = arith.constant 0 : index
          %get3A_133 = tpu.vector_load %arg7[%get3A_131, %get3A_132] {strides = array<i32>} : memref<128x128xf32, #tpu.memory_space<vmem>>, vector<16xf32>,
          %add3A_134 = arith.addf %get3A_130, %get3A_133 : vector<16xf32>
          %swap3A_135 = arith.constant 0 : i32
          %swap3A_136 = arith.index_cast %swap3A_135 : i32 to index
          %swap3A_137 = arith.constant 0 : index
          %swap3A_138 = tpu.vector_load %arg8[%swap3A_136, %swap3A_137] {strides = array<i32>} : memref<1x128xf32, #tpu.memory_space<vmem>>, vector<16xf32>,
          tpu.vector_store %arg8[%swap3A_136, %swap3A_137], %add3A_134 {strides = array<i32>} : memref<1x128xf32, #tpu.memory_space<vmem>>, vector<16xf32>,
          %get3A_139 = arith.constant 0 : i32
          %get3A_140 = arith.index_cast %get3A_139 : i32 to index
          %get3A_141 = arith.constant 16 : index
          %get3A_142 = tpu.vector_load %arg8[%get3A_140, %get3A_141] {strides = array<i32>} : memref<1x128xf32, #tpu.memory_space<vmem>>, vector<16xf32>,
          %get3A_143 = arith.index_cast %add3A_120 : i32 to index
          %get3A_144 = arith.constant 16 : index
          %get3A_145 = tpu.vector_load %arg7[%get3A_143, %get3A_144] {strides = array<i32>} : memref<128x128xf32, #tpu.memory_space<vmem>>, vector<16xf32>,
          %add3A_146 = arith.addf %get3A_142, %get3A_145 : vector<16xf32>
          %swap3A_147 = arith.constant 0 : i32
          %swap3A_148 = arith.index_cast %swap3A_147 : i32 to index
          %swap3A_149 = arith.constant 16 : index
          %swap3A_150 = tpu.vector_load %arg8[%swap3A_148, %swap3A_149] {strides = array<i32>} : memref<1x128xf32, #tpu.memory_space<vmem>>, vector<16xf32>,
          tpu.vector_store %arg8[%swap3A_148, %swap3A_149], %add3A_146 {strides = array<i32>} : memref<1x128xf32, #tpu.memory_space<vmem>>, vector<16xf32>,
          %get3A_151 = arith.constant 0 : i32
          %get3A_152 = arith.index_cast %get3A_151 : i32 to index
          %get3A_153 = arith.constant 32 : index
          %get3A_154 = tpu.vector_load %arg8[%get3A_152, %get3A_153] {strides = array<i32>} : memref<1x128xf32, #tpu.memory_space<vmem>>, vector<16xf32>,
          %get3A_155 = arith.index_cast %add3A_120 : i32 to index
          %get3A_156 = arith.constant 32 : index
          %get3A_157 = tpu.vector_load %arg7[%get3A_155, %get3A_156] {strides = array<i32>} : memref<128x128xf32, #tpu.memory_space<vmem>>, vector<16xf32>,
          %add3A_158 = arith.addf %get3A_154, %get3A_157 : vector<16xf32>
          %swap3A_159 = arith.constant 0 : i32
          %swap3A_160 = arith.index_cast %swap3A_159 : i32 to index
          %swap3A_161 = arith.constant 32 : index
          %swap3A_162 = tpu.vector_load %arg8[%swap3A_160, %swap3A_161] {strides = array<i32>} : memref<1x128xf32, #tpu.memory_space<vmem>>, vector<16xf32>,
          tpu.vector_store %arg8[%swap3A_160, %swap3A_161], %add3A_158 {strides = array<i32>} : memref<1x128xf32, #tpu.memory_space<vmem>>, vector<16xf32>,
          %get3A_163 = arith.constant 0 : i32
          %get3A_164 = arith.index_cast %get3A_163 : i32 to index
          %get3A_165 = arith.constant 48 : index
          %get3A_166 = tpu.vector_load %arg8[%get3A_164, %get3A_165] {strides = array<i32>} : memref<1x128xf32, #tpu.memory_space<vmem>>, vector<16xf32>,
          %get3A_167 = arith.index_cast %add3A_120 : i32 to index
          %get3A_168 = arith.constant 48 : index
          %get3A_169 = tpu.vector_load %arg7[%get3A_167, %get3A_168] {strides = array<i32>} : memref<128x128xf32, #tpu.memory_space<vmem>>, vector<16xf32>,
          %add3A_170 = arith.addf %get3A_166, %get3A_169 : vector<16xf32>
          %swap3A_171 = arith.constant 0 : i32
          %swap3A_172 = arith.index_cast %swap3A_171 : i32 to index
          %swap3A_173 = arith.constant 48 : index
          %swap3A_174 = tpu.vector_load %arg8[%swap3A_172, %swap3A_173] {strides = array<i32>} : memref<1x128xf32, #tpu.memory_space<vmem>>, vector<16xf32>,
          tpu.vector_store %arg8[%swap3A_172, %swap3A_173], %add3A_170 {strides = array<i32>} : memref<1x128xf32, #tpu.memory_space<vmem>>, vector<16xf32>,
          %get3A_175 = arith.constant 0 : i32
          %get3A_176 = arith.index_cast %get3A_175 : i32 to index
          %get3A_177 = arith.constant 64 : index
          %get3A_178 = tpu.vector_load %arg8[%get3A_176, %get3A_177] {strides = array<i32>} : memref<1x128xf32, #tpu.memory_space<vmem>>, vector<16xf32>,
          %get3A_179 = arith.index_cast %add3A_120 : i32 to index
          %get3A_180 = arith.constant 64 : index
          %get3A_181 = tpu.vector_load %arg7[%get3A_179, %get3A_180] {strides = array<i32>} : memref<128x128xf32, #tpu.memory_space<vmem>>, vector<16xf32>,
          %add3A_182 = arith.addf %get3A_178, %get3A_181 : vector<16xf32>
          %swap3A_183 = arith.constant 0 : i32
          %swap3A_184 = arith.index_cast %swap3A_183 : i32 to index
          %swap3A_185 = arith.constant 64 : index
          %swap3A_186 = tpu.vector_load %arg8[%swap3A_184, %swap3A_185] {strides = array<i32>} : memref<1x128xf32, #tpu.memory_space<vmem>>, vector<16xf32>,
          tpu.vector_store %arg8[%swap3A_184, %swap3A_185], %add3A_182 {strides = array<i32>} : memref<1x128xf32, #tpu.memory_space<vmem>>, vector<16xf32>,
          %get3A_187 = arith.constant 0 : i32
          %get3A_188 = arith.index_cast %get3A_187 : i32 to index
          %get3A_189 = arith.constant 80 : index
          %get3A_190 = tpu.vector_load %arg8[%get3A_188, %get3A_189] {strides = array<i32>} : memref<1x128xf32, #tpu.memory_space<vmem>>, vector<16xf32>,
          %get3A_191 = arith.index_cast %add3A_120 : i32 to index
          %get3A_192 = arith.constant 80 : index
          %get3A_193 = tpu.vector_load %arg7[%get3A_191, %get3A_192] {strides = array<i32>} : memref<128x128xf32, #tpu.memory_space<vmem>>, vector<16xf32>,
          %add3A_194 = arith.addf %get3A_190, %get3A_193 : vector<16xf32>
          %swap3A_195 = arith.constant 0 : i32
          %swap3A_196 = arith.index_cast %swap3A_195 : i32 to index
          %swap3A_197 = arith.constant 80 : index
          %swap3A_198 = tpu.vector_load %arg8[%swap3A_196, %swap3A_197] {strides = array<i32>} : memref<1x128xf32, #tpu.memory_space<vmem>>, vector<16xf32>,
          tpu.vector_store %arg8[%swap3A_196, %swap3A_197], %add3A_194 {strides = array<i32>} : memref<1x128xf32, #tpu.memory_space<vmem>>, vector<16xf32>,
          %get3A_199 = arith.constant 0 : i32
          %get3A_200 = arith.index_cast %get3A_199 : i32 to index
          %get3A_201 = arith.constant 96 : index
          %get3A_202 = tpu.vector_load %arg8[%get3A_200, %get3A_201] {strides = array<i32>} : memref<1x128xf32, #tpu.memory_space<vmem>>, vector<16xf32>,
          %get3A_203 = arith.index_cast %add3A_120 : i32 to index
          %get3A_204 = arith.constant 96 : index
          %get3A_205 = tpu.vector_load %arg7[%get3A_203, %get3A_204] {strides = array<i32>} : memref<128x128xf32, #tpu.memory_space<vmem>>, vector<16xf32>,
          %add3A_206 = arith.addf %get3A_202, %get3A_205 : vector<16xf32>
          %swap3A_207 = arith.constant 0 : i32
          %swap3A_208 = arith.index_cast %swap3A_207 : i32 to index
          %swap3A_209 = arith.constant 96 : index
          %swap3A_210 = tpu.vector_load %arg8[%swap3A_208, %swap3A_209] {strides = array<i32>} : memref<1x128xf32, #tpu.memory_space<vmem>>, vector<16xf32>,
          tpu.vector_store %arg8[%swap3A_208, %swap3A_209], %add3A_206 {strides = array<i32>} : memref<1x128xf32, #tpu.memory_space<vmem>>, vector<16xf32>,
          %get3A_211 = arith.constant 0 : i32
          %get3A_212 = arith.index_cast %get3A_211 : i32 to index
          %get3A_213 = arith.constant 112 : index
          %get3A_214 = tpu.vector_load %arg8[%get3A_212, %get3A_213] {strides = array<i32>} : memref<1x128xf32, #tpu.memory_space<vmem>>, vector<16xf32>,
          %get3A_215 = arith.index_cast %add3A_120 : i32 to index
          %get3A_216 = arith.constant 112 : index
          %get3A_217 = tpu.vector_load %arg7[%get3A_215, %get3A_216] {strides = array<i32>} : memref<128x128xf32, #tpu.memory_space<vmem>>, vector<16xf32>,
          %add3A_218 = arith.addf %get3A_214, %get3A_217 : vector<16xf32>
          %swap3A_219 = arith.constant 0 : i32
          %swap3A_220 = arith.index_cast %swap3A_219 : i32 to index
          %swap3A_221 = arith.constant 112 : index
          %swap3A_222 = tpu.vector_load %arg8[%swap3A_220, %swap3A_221] {strides = array<i32>} : memref<1x128xf32, #tpu.memory_space<vmem>>, vector<16xf32>,
          tpu.vector_store %arg8[%swap3A_220, %swap3A_221], %add3A_218 {strides = array<i32>} : memref<1x128xf32, #tpu.memory_space<vmem>>, vector<16xf32>,
        } else {
        }
      }
      %scan3A_115 = arith.constant 128 : i32
    } else {
    }
    %mul3A_102 = arith.constant 128 : i32
    %mul3A_103 = arith.muli %add3A, %mul3A_102 : i32
    %run_scoped3A_104 = arith.constant 0 : i32
    "tpu.region"() ({
      %run_scoped3A_105 = tpu.sem_alloc : memref<!tpu.dma_semaphore, #tpu.memory_space<semaphore_mem>>
      %dma_start3A = arith.constant 0 : i32
      %dma_start3A_106 = tpu.memref_slice %arg8[%run_scoped3A_104, %dma_start3A] : memref<1x128xf32, #tpu.memory_space<vmem>> -> memref<1x128xf32, #tpu.memory_space<vmem>>
      %dma_start3A_107 = tpu.memref_squeeze %dma_start3A_106 : memref<1x128xf32, #tpu.memory_space<vmem>> -> memref<128xf32, #tpu.memory_space<vmem>>
      %dma_start3A_108 = tpu.memref_slice %arg5[%mul3A_103] : memref<4096xf32, #tpu.memory_space<hbm>> -> memref<128xf32, #tpu.memory_space<hbm>>
      %dma_start3A_109 = tpu.memref_slice %arg5[%mul3A_103] : memref<4096xf32, #tpu.memory_space<hbm>> -> memref<128xf32, #tpu.memory_space<hbm>>
      %dma_start3A_110 = arith.constant 0 : i32
      %dma_start3A_111 = tpu.memref_slice %arg8[%run_scoped3A_104, %dma_start3A_110] : memref<1x128xf32, #tpu.memory_space<vmem>> -> memref<1x128xf32, #tpu.memory_space<vmem>>
      %dma_start3A_112 = tpu.memref_squeeze %dma_start3A_111 : memref<1x128xf32, #tpu.memory_space<vmem>> -> memref<128xf32, #tpu.memory_space<vmem>>
      tpu.enqueue_dma source(%dma_start3A_112 : memref<128xf32, #tpu.memory_space<vmem>>) target(%dma_start3A_109 : memref<128xf32, #tpu.memory_space<hbm>>) target_semaphore(%run_scoped3A_105 : memref<!tpu.dma_semaphore, #tpu.memory_space<semaphore_mem>>)
      %dma_wait3A = arith.constant 0 : i32
      %dma_wait3A_113 = tpu.memref_slice %arg8[%run_scoped3A_104, %dma_wait3A] : memref<1x128xf32, #tpu.memory_space<vmem>> -> memref<1x128xf32, #tpu.memory_space<vmem>>
      %dma_wait3A_114 = tpu.memref_squeeze %dma_wait3A_113 : memref<1x128xf32, #tpu.memory_space<vmem>> -> memref<128xf32, #tpu.memory_space<vmem>>
      %dma_wait3A_115 = tpu.memref_slice %arg5[%mul3A_103] : memref<4096xf32, #tpu.memory_space<hbm>> -> memref<128xf32, #tpu.memory_space<hbm>>
      %dma_wait3A_116 = tpu.memref_slice %arg5[%mul3A_103] : memref<4096xf32, #tpu.memory_space<hbm>> -> memref<128xf32, #tpu.memory_space<hbm>>
      %dma_wait3A_117 = arith.constant 0 : i32
      %dma_wait3A_118 = tpu.memref_slice %arg8[%run_scoped3A_104, %dma_wait3A_117] : memref<1x128xf32, #tpu.memory_space<vmem>> -> memref<1x128xf32, #tpu.memory_space<vmem>>
      %dma_wait3A_119 = tpu.memref_squeeze %dma_wait3A_118 : memref<1x128xf32, #tpu.memory_space<vmem>> -> memref<128xf32, #tpu.memory_space<vmem>>
      tpu.wait_dma2 semaphore(%run_scoped3A_105 : memref<!tpu.dma_semaphore, #tpu.memory_space<semaphore_mem>>) src(%dma_wait3A_119 : memref<128xf32, #tpu.memory_space<vmem>>) dst(%dma_wait3A_116 : memref<128xf32, #tpu.memory_space<hbm>>)
      tpu.yield
    }) : () -> ()
    return
  }
}

module attributes {stable_mosaic.version = 14 : i64} {
  func.func @body(%arg0: memref<16x2x128xf32, #tpu.memory_space<vmem>>, %arg1: memref<128x256xf32, #tpu.memory_space<vmem>>, %arg2: memref<1x256xf32, #tpu.memory_space<vmem>>, %arg3: memref<256x128xf32, #tpu.memory_space<vmem>>, %arg4: memref<1x128xf32, #tpu.memory_space<vmem>>, %arg5: memref<16x128xf32, #tpu.memory_space<vmem>>) attributes {dimension_semantics = [], scalar_prefetch = 0 : i64, scratch_operands = 0 : i64, tpu.core_type = #tpu.core_type<tc>} {
    %get3A = arith.constant 0 : index
    %get3A_0 = arith.constant 0 : index
    %get3A_1 = arith.constant 0 : index
    %get3A_2 = vector.load %arg0[%get3A, %get3A_0, %get3A_1] : memref<16x2x128xf32, #tpu.memory_space<vmem>>, vector<16x1x128xf32>
    %get3A_3 = vector.shape_cast %get3A_2 : vector<16x1x128xf32> to vector<16x128xf32>
    %get3A_4 = arith.constant 0 : index
    %get3A_5 = arith.constant 1 : index
    %get3A_6 = arith.constant 0 : index
    %get3A_7 = vector.load %arg0[%get3A_4, %get3A_5, %get3A_6] : memref<16x2x128xf32, #tpu.memory_space<vmem>>, vector<16x1x128xf32>
    %get3A_8 = vector.shape_cast %get3A_7 : vector<16x1x128xf32> to vector<16x128xf32>
    %add3A = arith.addf %get3A_3, %get3A_8 : vector<16x128xf32>
    %get3A_9 = arith.constant 0 : index
    %get3A_10 = arith.constant 0 : index
    %get3A_11 = vector.load %arg1[%get3A_9, %get3A_10] : memref<128x256xf32, #tpu.memory_space<vmem>>, vector<128x256xf32>
    %dot_general3A = arith.constant dense<0.000000e+00> : vector<16x256xf32>
    %dot_general3A_12 = tpu.matmul %add3A, %get3A_11, %dot_general3A {dimension_numbers = #tpu.dot_dimension_numbers<[1], [0], [0], [1], [0, 0, 1, 1], [], []>, transpose_lhs_hint = false} : vector<16x128xf32>, vector<128x256xf32>, vector<16x256xf32> -> vector<16x256xf32>
    %get3A_13 = arith.constant 0 : index
    %get3A_14 = arith.constant 0 : index
    %get3A_15 = vector.load %arg2[%get3A_13, %get3A_14] : memref<1x256xf32, #tpu.memory_space<vmem>>, vector<1x256xf32>
    %add3A_16 = vector.broadcast %get3A_15 : vector<1x256xf32> to vector<16x256xf32>
    %add3A_17 = arith.addf %dot_general3A_12, %add3A_16 : vector<16x256xf32>
    %max3A = arith.constant 0.000000e+00 : f32
    %max3A_18 = vector.broadcast %max3A : f32 to vector<16x256xf32>
    %max3A_19 = arith.maximumf %add3A_17, %max3A_18 : vector<16x256xf32>
    %get3A_20 = arith.constant 0 : index
    %get3A_21 = arith.constant 0 : index
    %get3A_22 = vector.load %arg3[%get3A_20, %get3A_21] : memref<256x128xf32, #tpu.memory_space<vmem>>, vector<256x128xf32>
    %dot_general3A_23 = arith.constant dense<0.000000e+00> : vector<16x128xf32>
    %dot_general3A_24 = tpu.matmul %max3A_19, %get3A_22, %dot_general3A_23 {dimension_numbers = #tpu.dot_dimension_numbers<[1], [0], [0], [1], [0, 0, 1, 1], [], []>, transpose_lhs_hint = false} : vector<16x256xf32>, vector<256x128xf32>, vector<16x128xf32> -> vector<16x128xf32>
    %get3A_25 = arith.constant 0 : index
    %get3A_26 = arith.constant 0 : index
    %get3A_27 = vector.load %arg4[%get3A_25, %get3A_26] : memref<1x128xf32, #tpu.memory_space<vmem>>, vector<1x128xf32>
    %add3A_28 = vector.broadcast %get3A_27 : vector<1x128xf32> to vector<16x128xf32>
    %add3A_29 = arith.addf %dot_general3A_24, %add3A_28 : vector<16x128xf32>
    %swap3A = arith.constant 0 : index
    %swap3A_30 = arith.constant 0 : index
    %swap3A_31 = vector.load %arg5[%swap3A, %swap3A_30] : memref<16x128xf32, #tpu.memory_space<vmem>>, vector<16x128xf32>
    tpu.vector_store %arg5[%swap3A, %swap3A_30], %add3A_29 {strides = array<i32>} : memref<16x128xf32, #tpu.memory_space<vmem>>, vector<16x128xf32>,
    return
  }
}

module attributes {stable_mosaic.version = 14 : i64} {
  func.func @body(%arg0: i32, %arg1: memref<2x1000x128xf32, #tpu.memory_space<vmem>>, %arg2: memref<1000x128xf32, #tpu.memory_space<vmem>>, %arg3: memref<128x128xf32, #tpu.memory_space<vmem>>, %arg4: memref<128x128xf32, #tpu.memory_space<vmem>>, %arg5: memref<1x128xf32, #tpu.memory_space<vmem>>, %arg6: memref<1000x128xf32, #tpu.memory_space<vmem>>) attributes {dimension_semantics = [#tpu.dimension_semantics<arbitrary>], iteration_bounds = array<i64: 10>, scalar_prefetch = 0 : i64, scratch_operands = 0 : i64, tpu.core_type = #tpu.core_type<tc>, window_params = [{transform_indices = @transform_0, window_bounds = array<i64: 2, 1000, 128>}, {transform_indices = @transform_1, window_bounds = array<i64: 1000, 128>}, {pipeline_mode = #tpu.pipeline_mode<synchronous>, transform_indices = @transform_2, window_bounds = array<i64: 128, 128>}, {pipeline_mode = #tpu.pipeline_mode<synchronous>, transform_indices = @transform_3, window_bounds = array<i64: 128, 128>}, {pipeline_mode = #tpu.pipeline_mode<synchronous>, transform_indices = @transform_4, window_bounds = array<i64: 1, 128>}, {transform_indices = @transform_5, window_bounds = array<i64: 1000, 128>}]} {
    %get3A = arith.constant 0 : index
    %get3A_0 = arith.constant 0 : index
    %get3A_1 = arith.constant 0 : index
    %get3A_2 = vector.load %arg1[%get3A, %get3A_0, %get3A_1] : memref<2x1000x128xf32, #tpu.memory_space<vmem>>, vector<1x1000x128xf32>
    %get3A_3 = vector.shape_cast %get3A_2 : vector<1x1000x128xf32> to vector<1000x128xf32>
    %get3A_4 = arith.constant 1 : index
    %get3A_5 = arith.constant 0 : index
    %get3A_6 = arith.constant 0 : index
    %get3A_7 = vector.load %arg1[%get3A_4, %get3A_5, %get3A_6] : memref<2x1000x128xf32, #tpu.memory_space<vmem>>, vector<1x1000x128xf32>
    %get3A_8 = vector.shape_cast %get3A_7 : vector<1x1000x128xf32> to vector<1000x128xf32>
    %add3A = arith.addf %get3A_3, %get3A_8 : vector<1000x128xf32>
    %get3A_9 = arith.constant 0 : index
    %get3A_10 = arith.constant 0 : index
    %get3A_11 = vector.load %arg3[%get3A_9, %get3A_10] : memref<128x128xf32, #tpu.memory_space<vmem>>, vector<128x128xf32>
    %dot_general3A = arith.constant dense<0.000000e+00> : vector<1000x128xf32>
    %dot_general3A_12 = tpu.matmul %add3A, %get3A_11, %dot_general3A {dimension_numbers = #tpu.dot_dimension_numbers<[1], [0], [0], [1], [0, 0, 1, 1], [], []>, transpose_lhs_hint = false} : vector<1000x128xf32>, vector<128x128xf32>, vector<1000x128xf32> -> vector<1000x128xf32>
    %get3A_13 = arith.constant 0 : index
    %get3A_14 = arith.constant 0 : index
    %get3A_15 = vector.load %arg2[%get3A_13, %get3A_14] : memref<1000x128xf32, #tpu.memory_space<vmem>>, vector<1000x128xf32>
    %get3A_16 = arith.constant 0 : index
    %get3A_17 = arith.constant 0 : index
    %get3A_18 = vector.load %arg4[%get3A_16, %get3A_17] : memref<128x128xf32, #tpu.memory_space<vmem>>, vector<128x128xf32>
    %dot_general3A_19 = arith.constant dense<0.000000e+00> : vector<1000x128xf32>
    %dot_general3A_20 = tpu.matmul %get3A_15, %get3A_18, %dot_general3A_19 {dimension_numbers = #tpu.dot_dimension_numbers<[1], [0], [0], [1], [0, 0, 1, 1], [], []>, transpose_lhs_hint = false} : vector<1000x128xf32>, vector<128x128xf32>, vector<1000x128xf32> -> vector<1000x128xf32>
    %add3A_21 = arith.addf %dot_general3A_12, %dot_general3A_20 : vector<1000x128xf32>
    %get3A_22 = arith.constant 0 : index
    %get3A_23 = arith.constant 0 : index
    %get3A_24 = vector.load %arg5[%get3A_22, %get3A_23] : memref<1x128xf32, #tpu.memory_space<vmem>>, vector<1x128xf32>
    %add3A_25 = vector.broadcast %get3A_24 : vector<1x128xf32> to vector<1000x128xf32>
    %add3A_26 = arith.addf %add3A_21, %add3A_25 : vector<1000x128xf32>
    %max3A = arith.constant 0.000000e+00 : f32
    %max3A_27 = vector.broadcast %max3A : f32 to vector<1000x128xf32>
    %max3A_28 = arith.maximumf %add3A_26, %max3A_27 : vector<1000x128xf32>
    %swap3A = arith.constant 0 : index
    %swap3A_29 = arith.constant 0 : index
    %swap3A_30 = vector.load %arg6[%swap3A, %swap3A_29] : memref<1000x128xf32, #tpu.memory_space<vmem>>, vector<1000x128xf32>
    tpu.vector_store %arg6[%swap3A, %swap3A_29], %max3A_28 {strides = array<i32>} : memref<1000x128xf32, #tpu.memory_space<vmem>>, vector<1000x128xf32>,
    return
  }
  func.func @transform_0(%arg0: i32) -> (i32, i32, i32) {
    %c0_i32 = arith.constant 0 : i32
    %c0_i32_0 = arith.constant 0 : i32
    %c0_i32_1 = arith.constant 0 : i32
    return %c0_i32, %arg0, %c0_i32_0 : i32, i32, i32
  }
  func.func @transform_1(%arg0: i32) -> (i32, i32) {
    %c0_i32 = arith.constant 0 : i32
    %c0_i32_0 = arith.constant 0 : i32
    return %arg0, %c0_i32 : i32, i32
  }
  func.func @transform_2(%arg0: i32) -> (i32, i32) {
    %c0_i32 = arith.constant 0 : i32
    %c0_i32_0 = arith.constant 0 : i32
    %c0_i32_1 = arith.constant 0 : i32
    return %c0_i32, %c0_i32_0 : i32, i32
  }
  func.func @transform_3(%arg0: i32) -> (i32, i32) {
    %c0_i32 = arith.constant 0 : i32
    %c0_i32_0 = arith.constant 0 : i32
    %c0_i32_1 = arith.constant 0 : i32
    return %c0_i32, %c0_i32_0 : i32, i32
  }
  func.func @transform_4(%arg0: i32) -> (i32, i32) {
    %c0_i32 = arith.constant 0 : i32
    %c0_i32_0 = arith.constant 0 : i32
    %c0_i32_1 = arith.constant 0 : i32
    return %c0_i32, %c0_i32_0 : i32, i32
  }
  func.func @transform_5(%arg0: i32) -> (i32, i32) {
    %c0_i32 = arith.constant 0 : i32
    %c0_i32_0 = arith.constant 0 : i32
    return %arg0, %c0_i32 : i32, i32
  }
}

</mosaic_0001>

<sc_bundles>
// kernel: kernel.6.cloned.1.call-start
scs
__scs_entry_jumppad:
0x0: {  	(pc) =	sbr.rel $0x88, $3  }
0x1: {  	(tag) =	ssettag $0x0;
	lr =	simm.s32 $0x1  }
0x2: {  	[smem:$0x3F96] =	sst lr;
	_ =	strace $0xD0000000  }
0x3: {  	_ = 	snop  }
0x4: {  	_ = 	snop  }
0x5: {  	_ = 	snop  }
0x6: {  	_ = 	snop  }
0x7: {  	_ = 	snop  }
__scs_overlays_trampoline_lowered:
0x8: {  	[smem:$0x3FA5] =	sst s0  }
0x9: {  	[smem:$0x3FA6] =	sst s1  }
0xa: {  	[smem:$0x3FA7] =	sst s2  }
0xb: {  	[smem:$0x3FA8] =	sst s3  }
0xc: {  	[smem:$0x3FA9] =	sst s4  }
0xd: {  	[smem:$0x3FAA] =	sst s5  }
0xe: {  	[smem:$0x3FAB] =	sst s6  }
0xf: {  	[smem:$0x3FAC] =	sst s7  }
0x10: {  	[smem:$0x3FAD] =	sst s8  }
0x11: {  	[smem:$0x3FAE] =	sst s9;
	s0 =	simm.s32 @!p0 $0x0  }
0x12: {  	s1 =	sld [smem:$0x3F94];
	s0 =	simm.s32 @p0 $0x1  }
0x13: {  	[smem:$0x3FAF] =	sst s0;
	s0 =	simm.s32 @!p1 $0x0  }
0x14: {  	s2 =	sld [smem:$0x3F93];
	s0 =	simm.s32 @p1 $0x1  }
0x15: {  	[smem:$0x3FB0] =	sst s0;
	s0 =	simm.s32 @!p2 $0x0  }
0x16: {  	s3 =	sld [smem:$0x3FDB];
	s0 =	simm.s32 @p2 $0x1  }
0x17: {  	s4 =	simm.s32 $0x1BF5;
	[smem:$0x3FB2] =	sst s0  }
0x18: {  	s0 =	sld [smem:$0x3F95];
	_ =	swait.ge [sflag:s4], $0x0  }
0x19: {  	s7 =	sld [smem:$0x3F96]  }
0x1a: {  	s8 =	sadd.s32 $0xFFFFE003, lr  }
0x1b: {  	s9 =	sadd.s32 $0xFFFFFEF7, lr;
	s5 =	simm.s32 $0xFFFFFFFF;
	p2 =	slt.u32 s8, $0xFFFFF086  }
0x1c: {  	p1 =	slt.u32 s9, $0xF7A;
	s5 =	simm.s32 @!p2 $0x0  }
0x1d: {  	s5 =	simm.s32 @p1 $0x1;
	p0 =	seq.s32 s7, s2  }
0x1e: {  	s7 =	smul.u32 @!p0 $0xF7A, s2;
	p2 =	seq.s32 @!p0 s5, $0x0  }
0x1f: {  	s9 =	smul.u32 $0xF7A, s1;
	s8 =	simm.s32 @!p0 $0x1BF5;
	p2 =	por !p2, p0  }
0x20: {  	[sflag:s8] =	ssyncset.s32 @!p0 $0xFFFFF086;
	s6 =	sadd.s32 @!p0 s3, s7;
	s7 =	simm.s32 @!p0 $0x108  }
0x21: {  	s3 =	sadd.s32 s3, s9;
	s6 =	sadd.s32 @!p0 $0x88, s6;
	s7 =	simm.s32 @p2 $0x1082  }
0x22: {  	[simem:s7], [sflag:s8] =	dma.local @!p0 [hbm:s6], $0xF7A  }
0x23: {  	s9 =	sor.u32 $0xD0000000, s2;
	s6 =	simm.s32 $0x108;
	_ =	swait.ge @!p0 [sflag:s8], $0x0  }
0x24: {  	s3 =	sadd.s32 $0x88, s3;
	s6 =	simm.s32 @!p1 $0x1082;
	[sflag:s4] =	ssyncset.s32 $0xFFFFF086  }
0x25: {  	[simem:s6], [sflag:s4] =	dma.local [hbm:s3], $0xF7A  }
0x26: {  	[smem:$0x3F96] =	sst s1;
	(tag) =	ssettag s2;
	_ =	strace s9  }
0x27: {  	s1 =	sld [smem:$0x3FA6]  }
0x28: {  	s2 =	sld [smem:$0x3FA7]  }
0x29: {  	s4 =	sld [smem:$0x3FA9]  }
0x2a: {  	p0 =	seq.s32 s5, $0x0;
	s5 =	sld [smem:$0x3FAA]  }
0x2b: {  	s6 =	sld [smem:$0x3FAB]  }
0x2c: {  	s7 =	sld [smem:$0x3FAC]  }
0x2d: {  	s3 =	simm.s32 $0x108;
	s8 =	sld [smem:$0x3FAD]  }
0x2e: {  	s3 =	simm.s32 @!p0 $0x1082;
	s9 =	sld [smem:$0x3FAE]  }
0x2f: {  	lr =	sadd.s32 s0, s3;
	s0 =	sld [smem:$0x3FA5]  }
0x30: {  	s3 =	sld [smem:$0x3FA8]  }
0x31: {  	[smem:$0x3FB1] =	sst s10  }
0x32: {  	s10 =	sld [smem:$0x3FAF];
	_ =	sdelay $0x3  }
0x33: {  	p0 =	seq.s32 s10, $0x1;
	s10 =	sld [smem:$0x3FB1];
	_ =	sdelay $0x3  }
0x34: {  	[smem:$0x3FB1] =	sst s10  }
0x35: {  	s10 =	sld [smem:$0x3FB0];
	_ =	sdelay $0x3  }
0x36: {  	p1 =	seq.s32 s10, $0x1;
	s10 =	sld [smem:$0x3FB1];
	_ =	sdelay $0x3  }
0x37: {  	[smem:$0x3FB1] =	sst s10  }
0x38: {  	s10 =	sld [smem:$0x3FB2]  }
0x39: {  	_ = 	snop;
	(pc) =	sbr.ind lr, $3  }
0x3a: {  	_ = 	snop  }
0x3b: {  	_ = 	snop  }
0x3c: {  	p2 =	seq.s32 s10, $0x1;
	s10 =	sld [smem:$0x3FB1]  }
0x3d: {  	_ =	shalt  }
0x3e: {  	_ =	shalt  }
0x3f: {  	_ =	shalt  }
0x40: {  	_ =	shalt  }
0x41: {  	_ =	shalt  }
0x42: {  	_ =	shalt  }
0x43: {  	_ =	shalt  }
0x44: {  	_ =	shalt  }
0x45: {  	_ =	shalt  }
0x46: {  	_ =	shalt  }
0x47: {  	_ =	shalt  }
0x48: {  	_ =	shalt  }
0x49: {  	_ =	shalt  }
0x4a: {  	_ =	shalt  }
0x4b: {  	_ =	shalt  }
0x4c: {  	_ =	shalt  }
0x4d: {  	_ =	shalt  }
0x4e: {  	_ =	shalt  }
0x4f: {  	_ =	shalt  }
0x50: {  	_ =	shalt  }
0x51: {  	_ =	shalt  }
0x52: {  	_ =	shalt  }
0x53: {  	_ =	shalt  }
0x54: {  	_ =	shalt  }
0x55: {  	_ =	shalt  }
0x56: {  	_ =	shalt  }
0x57: {  	_ =	shalt  }
0x58: {  	_ =	shalt  }
0x59: {  	_ =	shalt  }
0x5a: {  	_ =	shalt  }
0x5b: {  	_ =	shalt  }
0x5c: {  	_ =	shalt  }
0x5d: {  	_ =	shalt  }
0x5e: {  	_ =	shalt  }
0x5f: {  	_ =	shalt  }
0x60: {  	_ =	shalt  }
0x61: {  	_ =	shalt  }
0x62: {  	_ =	shalt  }
0x63: {  	_ =	shalt  }
0x64: {  	_ =	shalt  }
0x65: {  	_ =	shalt  }
0x66: {  	_ =	shalt  }
0x67: {  	_ =	shalt  }
0x68: {  	_ =	shalt  }
0x69: {  	_ =	shalt  }
0x6a: {  	_ =	shalt  }
0x6b: {  	_ =	shalt  }
0x6c: {  	_ =	shalt  }
0x6d: {  	_ =	shalt  }
0x6e: {  	_ =	shalt  }
0x6f: {  	_ =	shalt  }
0x70: {  	_ =	shalt  }
0x71: {  	_ =	shalt  }
0x72: {  	_ =	shalt  }
0x73: {  	_ =	shalt  }
0x74: {  	_ =	shalt  }
0x75: {  	_ =	shalt  }
0x76: {  	_ =	shalt  }
0x77: {  	_ =	shalt  }
0x78: {  	_ =	shalt  }
0x79: {  	_ =	shalt  }
0x7a: {  	_ =	shalt  }
0x7b: {  	_ =	shalt  }
0x7c: {  	_ =	shalt  }
0x7d: {  	_ =	shalt  }
0x7e: {  	_ =	shalt  }
0x7f: {  	_ =	shalt  }
0x80: {  	_ =	shalt  }
0x81: {  	_ =	shalt  }
0x82: {  	_ =	shalt  }
0x83: {  	_ =	shalt  }
0x84: {  	_ =	shalt  }
0x85: {  	_ =	shalt  }
0x86: {  	_ =	shalt  }
0x87: {  	_ =	shalt  }
.Lfunc_end0:
.L_simem_size_0:
called_computation_lowered:
.L_overlay_start_0:
0x88: {  	s2 =	sld [smem:$0x3FD9]  }
0x89: {  	s3 =	sld [smem:$0x3FFE];
	_ =	sdelay $0x1  }
0x8a: {  	s1 =	srdreg.scid  }
0x8b: {  	s0 =	sand.u32 $0x1, s1  }
0x8c: {  	s17 =	sshll.u32 s0, $0xA;
	s2 =	sadd.s32 s3, s2  }
0x8d: {  	s2 =	sadd.s32 s2, s17  }
0x8e: {  	[smem:$0x3FBD] =	sst s2  }
0x8f: {  	_ = 	snop  }
0x90: {  	s2 =	sld [smem:$0x3FC9];
	(tm) =	ssettm $0x1  }
0x91: {  	s18 =	sld [smem:$0x3FFB];
	_ =	sdelay $0x3  }
0x92: {  	_ =	strace s18  }
0x93: {  	s3 =	sld [smem:$0x3FFC];
	_ =	sdelay $0x3  }
0x94: {  	_ =	strace s3  }
0x95: {  	s3 =	sld [smem:$0x3FFD];
	_ =	sdelay $0x3  }
0x96: {  	_ =	strace s3  }
0x97: {  	_ =	strace $0x8FFFFFFF  }
0x98: {  	s19 =	sld [smem:$0x3FDB];
	_ =	sdelay $0x1  }
0x99: {  	s4 =	simm.s32 $_scs_section_size  }
0x9a: {  	s5 =	simm.s32 $_size__tile_overlayer_lowered;
	s6 =	simm.s32 $_tile_overlayer_lowered  }
0x9b: {  	s22 =	simm.s32 $0x1BFF;
	s21 =	sshll.u32 s6, $0x1;
	s3 =	sadd.s32 s4, s19  }
0x9c: {  	s7 =	simm.s32 $0x0;
	s20 =	sshll.u32 s5, $0x1;
	s5 =	sadd.s32 s21, s3  }
0x9d: {  	[timem:s7], [sflag:s22] =	dma.local [hbm:s5], s20  }
0x9e: {  	_ =	swait.ge [sflag:s22], s20  }
0x9f: {  	s4 =	ssub.s32 $0x0, s20;
	[sflag:s22] =	ssyncset.done $0x0  }
0xa0: {  	[sflag:s22] =	ssyncadd.s32 s4;
	_ =	sdelay $0x1  }
0xa1: {  	s23 =	simm.s32 $0x1B8B  }
0xa2: {  	_ =	swait.ge [sflag:s23], $0x1  }
0xa3: {  	[sflag:s23] =	ssyncset.done $0x0  }
0xa4: {  	s25 =	simm.s32 $0x1B8E;
	s24 =	sld [smem:$0x3FFE];
	[sflag:s23] =	ssyncadd.s32 $0xFFFFFFFF  }
0xa5: {  	s26 =	simm.s32 $execute0_lowered;
	[smem:$0x3FD2] =	sst s25  }
0xa6: {  	s5 =	sshll.u32 s26, $0x1;
	_ =	strace $0x80000046;
	[dreg:$0x1] =	wrdreg $0xFFFFFFFF  }
0xa7: {  	s28 =	simm.s32 $_size_execute0_lowered;
	s3 =	sadd.s32 s3, s5;
	[dreg:$0x0] =	wrdreg $0x0  }
0xa8: {  	s5 =	sshll.u32 s28, $0x1;
	[dreg:$0x2] =	wrdreg s3  }
0xa9: {  	[dreg:$0x3] =	wrdreg s5  }
0xaa: {  	[dreg:$0x4] =	wrdreg $0xC0  }
0xab: {  	_ =	task [dreg:s7], $0x5FFFF  }
0xac: {  	[dreg:$0x1] =	wrdreg $0xFFFFFFFF  }
0xad: {  	[dreg:$0x0] =	wrdreg $0x60  }
0xae: {  	[dreg:$0x2] =	wrdreg s2  }
0xaf: {  	[dreg:$0x3] =	wrdreg s24  }
0xb0: {  	[dreg:$0x4] =	wrdreg $0xA9000  }
0xb1: {  	[dreg:$0x5] =	wrdreg $0x9  }
0xb2: {  	_ =	task.clear_ibuf [dreg:s7], $0x6FFFF;
	_ =	strace $0x90000046  }
0xb3: {  	s29 =	simm.s32 $0x9;
	_ =	strace $0x80000048  }
0xb4: {  	_ =	swait.ge [sflag:s29], $0x1  }
0xb5: {  	[sflag:s29] =	ssyncadd.s32 $0xFFFFFFFF  }
0xb6: {  	_ =	strace $0x90000048  }
0xb7: {  	_ =	sfence  }
0xb8: {  	s30 =	sld [smem:$0x0];
	_ =	sdelay $0x2  }
0xb9: {  	s31 =	sshll.u32 s1, $0xD;
	s1 =	sshrl.u32 s1, $0x2  }
0xba: {  	s3 =	sand.u32 $0x4000, s31;
	s1 =	sadd.s32 s1, s30  }
0xbb: {  	s0 =	sor.u32 s3, s0;
	s1 =	sshll.u32 s1, $0x11  }
0xbc: {  	s0 =	sor.u32 s1, s0  }
0xbd: {  	s0 =	sadd.s32 $0x8F2B, s0  }
0xbe: {  	[sflag:s0] =	ssyncadd.remote.s32 $0x1  }
0xbf: {  	_ =	sfence.sel $0xFFFF  }
0xc0: {  	[dreg:$0x0] =	wrdreg $0xFFFFFFFF;
	(pc) =	sbr.abs _section_cstart, $3  }
0xc1: {  	[dreg:$0x1] =	wrdreg $0xFFFFFFFF  }
0xc2: {  	_ =	task.clear_ibuf [dreg:s7], $0x2FFFF;
	_ =	strace $0x9FFFFFFF  }
0xc3: {  	(tm) =	ssettm $0x7FFFFFFF  }
tec
execute0_lowered:
.L_overlay_start_1:
0x0: {  	(tag) =	ssettag $0x1  }
0x1: {  	s1 =	rddreg [dreg:$0x0]  }
0x2: {  	s4 =	rddreg [dreg:$0x1];
	s5 =	srdreg.scid  }
0x3: {  	s2 =	rddreg [dreg:$0x2];
	s7 =	sand.u32 $0x1, s5  }
0x4: {  	s0 =	rddreg [dreg:$0x3];
	s3 =	simm.s32 $0x0;
	s5 =	smul.u32 $0x27100, s7  }
0x5: {  	[smem:$0x7FF] =	sst s3;
	s13 =	sadd.s32 $0xBC00, s4;
	s14 =	sadd.s32 $0x1E00, s4  }
0x6: {  	s18 =	smul.u32 $0x4E0, s7;
	s11 =	sadd.s32 s5, s4;
	s4 =	stileid.u32  }
0x7: {  	_ =	strace $0x80000047;
	s22 =	ssub.s32 $0x2, s7;
	s8 =	smul.u32 $0x270, s4  }
0x8: {  	s6 =	sshll.u32 s7, $0x4;
	s9 =	sshrl.u32 s22, $0x1;
	s23 =	smul.u32 $0x4E000, s4  }
0x9: {  	s12 =	ssub.s32 s22, s9;
	s19 =	sor.u32 s4, s6;
	s20 =	smul.u32 $0x4E, s4  }
0xa: {  	s11 =	sadd.s32 $0x15A00, s11;
	s30 =	smul.u32 $0x2700, s4;
	s12 =	smax.u32 s12, $0x1  }
0xb: {  	p0 =	sne.s32 s4, $0xF;
	s24 =	smul.u32 $0x4E, s19;
	s16 =	smin.u32 s19, $0x4  }
0xc: {  	p1 =	sgt.u32 s19, $0x3;
	s15 =	sadd.s32 $0xD0, s8;
	s25 =	sshrl.u32 s23, $0x2  }
0xd: {  	s17 =	sadd.s32 $0x1A0, s8;
	s8 =	sadd.s32 $0x138000, s2;
	s18 =	sadd.s32 s20, s18  }
0xe: {  	s19 =	sadd.s32 s30, s11;
	s26 =	sshll.u32 s15, $0x7;
	s5 =	sadd.s32 s25, s2  }
0xf: {  	s9 =	sadd.s32 s16, s24;
	s29 =	sshll.u32 s17, $0x7;
	s21 =	sshll.u32 s15, $0x4  }
0x10: {  	s31 =	sadd.s32 s16, s18;
	s22 =	sshll.u32 s17, $0x4;
	s16 =	simm.s32 $0x1  }
0x11: {  	s17 =	simm.s32 $0x80;
	s18 =	simm.s32 $0x100;
	s6 =	sadd.s32 s26, s2  }
0x12: {  	s28 =	sshll.u32 s9, $0x4;
	s7 =	sadd.s32 s29, s2;
	s15 =	sshll.u32 s31, $0x4  }
0x13: {  	s20 =	sadd.s32 s21, s11;
	s21 =	sadd.s32 s22, s11;
	s10 =	sadd.s32 $0x4E0, s28  }
0x14: {  	s22 =	simm.s32 $0x0;
	s9 =	sadd.s32 s13, s10;
	s10 =	sadd.s32 s14, s10  }
0x15: {  	v0 =	vimm.f32 $0.0e+00;
	s13 =	sadd.s32 s15, s13;
	s14 =	sadd.s32 s15, s14;
	s15 =	simm.s32 $0x4100  }
.LBB2_1:
0x16: {  	s23 =	simm.s32 $0x0;
	s24 =	simm.s32 $0x200  }
.LBB2_2:
0x17: {  	p2 =	sne.s32 s24, $0x19E00;
	[tilespmem:s23+$0x4170] =	vst v0  }
0x18: {  	[tilespmem:s23+$0x4100] =	vst v0  }
0x19: {  	[tilespmem:s23+$0x4110] =	vst v0  }
.Ltmp0:
0x1a: {  	[tilespmem:s23+$0x4120] =	vst v0;
	(pc) =	sbr.rel @p2 .LBB2_2-.Ltmp0, $4  }
0x1b: {  	[tilespmem:s23+$0x4130] =	vst v0  }
0x1c: {  	[tilespmem:s23+$0x4140] =	vst v0  }
0x1d: {  	[tilespmem:s23+$0x4150] =	vst v0  }
0x1e: {  	[tilespmem:s23+$0x4160] =	vst v0;
	s23 =	sshra.s32 s24, $0x2;
	s24 =	sadd.s32 $0x200, s24  }
0x1f: {  	[tilespmem:s23+$0x4170] =	vst v0  }
0x20: {  	[tilespmem:s23+$0x4100] =	vst v0  }
0x21: {  	[tilespmem:s23+$0x4110] =	vst v0  }
0x22: {  	[tilespmem:s23+$0x4120] =	vst v0  }
0x23: {  	[tilespmem:s23+$0x4130] =	vst v0  }
0x24: {  	[tilespmem:s23+$0x4140] =	vst v0  }
0x25: {  	[tilespmem:s23+$0x4150] =	vst v0  }
0x26: {  	[tilespmem:s23+$0x4160] =	vst v0  }
0x27: {  	[spmem:s5] =	stream.linear.scatter [tilespmem:s15], [sflag:$0x1], $0x6800, $0x38;
	[tilespmem:$0x1E180] =	vst v63  }
0x28: {  	_ =	swait.ge [sflag:s16], $0x6800  }
0x29: {  	[sflag:s16] =	ssyncset.done $0x0  }
0x2a: {  	[sflag:s16] =	ssyncadd.s32 $0xFFFF9800  }
0x2b: {  	[spmem:s6] =	stream.linear.scatter [tilespmem:s15], [sflag:$0x1], $0x6800, $0x38;
	[tilespmem:$0x1E180] =	vst v63  }
0x2c: {  	_ =	swait.ge [sflag:s16], $0x6800  }
0x2d: {  	[sflag:s16] =	ssyncset.done $0x0  }
0x2e: {  	[sflag:s16] =	ssyncadd.s32 $0xFFFF9800  }
0x2f: {  	[spmem:s7] =	stream.linear.scatter [tilespmem:s15], [sflag:$0x1], $0x6800, $0x38;
	[tilespmem:$0x1E180] =	vst v63  }
0x30: {  	_ =	swait.ge [sflag:s16], $0x6800  }
0x31: {  	[sflag:s16] =	ssyncset.done $0x0  }
0x32: {  	s23 =	simm.s32 @!p0 $0x4100;
	[sflag:s16] =	ssyncadd.s32 $0xFFFF9800  }
0x33: {  	[spmem:s8] =	stream.linear.scatter @!p0 [tilespmem:s23], [sflag:$0x1], $0x800, $0x38;
	[tilespmem:$0x1E180] =	vst v63  }
0x34: {  	s23 =	simm.s32 @!p0 $0x1  }
0x35: {  	_ =	swait.ge @!p0 [sflag:s23], $0x800  }
0x36: {  	[sflag:s23] =	ssyncset.done @!p0 $0x0  }
0x37: {  	[sflag:s23] =	ssyncadd.s32 @!p0 $0xFFFFF800  }
0x38: {  	s30 =	sadd.s32 $0x0, s13;
	[bflag:$0x0] =	sbarrier.arrive $0xFFFF  }
0x39: {  	[tilespmem:s3], [sflag:$0x1] =	stream.linear.gather [hbm4b:s30+s3], $0x80, $0x38;
	[tilespmem:$0x1E180] =	vst v63  }
0x3a: {  	_ =	swait.ge [sflag:s16], $0x80  }
0x3b: {  	[sflag:s16] =	ssyncset.done $0x0  }
0x3c: {  	s31 =	sadd.s32 $0x0, s14;
	[sflag:s16] =	ssyncadd.s32 $0xFFFFFF80  }
0x3d: {  	[tilespmem:s17], [sflag:$0x1] =	stream.linear.gather [hbm4b:s31+s3], $0x80, $0x38;
	[tilespmem:$0x1E180] =	vst v63  }
0x3e: {  	_ =	swait.ge [sflag:s16], $0x80  }
0x3f: {  	[sflag:s16] =	ssyncset.done $0x0  }
0x40: {  	[sflag:s16] =	ssyncadd.s32 $0xFFFFFF80  }
0x41: {  	[tilespmem:s18], [sflag:$0x1] =	stream.indirect.gather [hbm4b:s1+s17], $0x80, s3, s17, $0xb8;
	[tilespmem:$0x1E180] =	vst v63  }
0x42: {  	_ =	swait.ge [sflag:s16], $0x4000  }
0x43: {  	[sflag:s16] =	ssyncset.done $0x0  }
0x44: {  	[sflag:s16] =	ssyncadd.s32 $0xFFFFC000  }
0x45: {  	[spmem:s2] =	stream.indirect.scatter.add.f32 [tilespmem:s18], [sflag:$0x1], $0x80, s17, s17, $0xb8;
	[tilespmem:$0x1E180] =	vst v63  }
0x46: {  	_ =	swait.ge [sflag:s16], $0x4000  }
0x47: {  	s24 =	simm.s32 $0x20;
	s23 =	simm.s32 $0x10;
	[sflag:s16] =	ssyncset.done $0x0  }
.LBB2_4:
0x48: {  	s25 =	sadd.s32 s23, s13  }
0x49: {  	[sflag:s16] =	ssyncadd.s32 $0xFFFFC000;
	s26 =	smov.u32 s24;
	s28 =	sadd.s32 $0x10, s24  }
0x4a: {  	[tilespmem:s3], [sflag:$0x1] =	stream.linear.gather [hbm4b:s25+s3], $0x80, $0x38;
	[tilespmem:$0x1E180] =	vst v63  }
0x4b: {  	p2 =	sne.s32 s24, $0x4D0;
	_ =	swait.ge [sflag:s16], $0x80  }
0x4c: {  	[sflag:s16] =	ssyncset.done $0x0  }
0x4d: {  	s24 =	sadd.s32 s23, s14;
	s23 =	smov.u32 s26;
	[sflag:s16] =	ssyncadd.s32 $0xFFFFFF80  }
0x4e: {  	[tilespmem:s17], [sflag:$0x1] =	stream.linear.gather [hbm4b:s24+s3], $0x80, $0x38;
	[tilespmem:$0x1E180] =	vst v63  }
0x4f: {  	_ =	swait.ge [sflag:s16], $0x80  }
0x50: {  	[sflag:s16] =	ssyncset.done $0x0  }
0x51: {  	[sflag:s16] =	ssyncadd.s32 $0xFFFFFF80  }
0x52: {  	[tilespmem:s18], [sflag:$0x1] =	stream.indirect.gather [hbm4b:s1+s17], $0x80, s3, s17, $0xb8;
	[tilespmem:$0x1E180] =	vst v63  }
0x53: {  	_ =	swait.ge [sflag:s16], $0x4000  }
.Ltmp1:
0x54: {  	[sflag:s16] =	ssyncset.done $0x0;
	(pc) =	sbr.rel @p2 .LBB2_4-.Ltmp1, $4  }
0x55: {  	[sflag:s16] =	ssyncadd.s32 $0xFFFFC000  }
0x56: {  	[spmem:s2] =	stream.indirect.scatter.add.f32 [tilespmem:s18], [sflag:$0x1], $0x80, s17, s17, $0xb8;
	[tilespmem:$0x1E180] =	vst v63  }
0x57: {  	_ =	swait.ge [sflag:s16], $0x4000  }
0x58: {  	s24 =	smov.u32 s28;
	[sflag:s16] =	ssyncset.done $0x0  }
0x59: {  	s24 =	sadd.s32 s23, s13;
	[sflag:s16] =	ssyncadd.s32 $0xFFFFC000  }
0x5a: {  	[tilespmem:s3], [sflag:$0x1] =	stream.linear.gather [hbm4b:s24+s3], $0x80, $0x38;
	[tilespmem:$0x1E180] =	vst v63  }
0x5b: {  	_ =	swait.ge [sflag:s16], $0x80  }
0x5c: {  	[sflag:s16] =	ssyncset.done $0x0  }
0x5d: {  	s26 =	sadd.s32 s23, s14;
	[sflag:s16] =	ssyncadd.s32 $0xFFFFFF80  }
0x5e: {  	[tilespmem:s17], [sflag:$0x1] =	stream.linear.gather [hbm4b:s26+s3], $0x80, $0x38;
	[tilespmem:$0x1E180] =	vst v63  }
0x5f: {  	_ =	swait.ge [sflag:s16], $0x80  }
0x60: {  	[sflag:s16] =	ssyncset.done $0x0  }
0x61: {  	[sflag:s16] =	ssyncadd.s32 $0xFFFFFF80  }
0x62: {  	[tilespmem:s18], [sflag:$0x1] =	stream.indirect.gather [hbm4b:s1+s17], $0x80, s3, s17, $0xb8;
	[tilespmem:$0x1E180] =	vst v63  }
0x63: {  	_ =	swait.ge [sflag:s16], $0x4000  }
0x64: {  	[sflag:s16] =	ssyncset.done $0x0  }
0x65: {  	[sflag:s16] =	ssyncadd.s32 $0xFFFFC000  }
0x66: {  	[spmem:s2] =	stream.indirect.scatter.add.f32 [tilespmem:s18], [sflag:$0x1], $0x80, s17, s17, $0xb8;
	[tilespmem:$0x1E180] =	vst v63  }
0x67: {  	_ =	swait.ge [sflag:s16], $0x4000  }
0x68: {  	[sflag:s16] =	ssyncset.done $0x0  }
0x69: {  	s23 =	simm.s32 @!p1 $0x0;
	s24 =	simm.s32 @!p1 $0x1;
	[sflag:s16] =	ssyncadd.s32 $0xFFFFC000  }
0x6a: {  	[tilespmem:s23], [sflag:$0x1] =	stream.linear.gather @!p1 [hbm4b:s9+s23], $0x80, $0x38;
	[tilespmem:$0x1E180] =	vst v63  }
0x6b: {  	_ =	swait.ge @!p1 [sflag:s24], $0x80  }
0x6c: {  	[sflag:s24] =	ssyncset.done @!p1 $0x0  }
0x6d: {  	s25 =	simm.s32 @!p1 $0x80;
	[sflag:s24] =	ssyncadd.s32 @!p1 $0xFFFFFF80  }
0x6e: {  	[tilespmem:s25], [sflag:$0x1] =	stream.linear.gather @!p1 [hbm4b:s10+s23], $0x80, $0x38;
	[tilespmem:$0x1E180] =	vst v63  }
0x6f: {  	_ =	swait.ge @!p1 [sflag:s24], $0x80  }
0x70: {  	[sflag:s24] =	ssyncset.done @!p1 $0x0  }
0x71: {  	s26 =	simm.s32 @!p1 $0x100;
	[sflag:s24] =	ssyncadd.s32 @!p1 $0xFFFFFF80  }
0x72: {  	[tilespmem:s26], [sflag:$0x1] =	stream.indirect.gather @!p1 [hbm4b:s1+s25], $0x80, s23, s25, $0xb8;
	[tilespmem:$0x1E180] =	vst v63  }
0x73: {  	_ =	swait.ge @!p1 [sflag:s24], $0x4000  }
0x74: {  	[sflag:s24] =	ssyncset.done @!p1 $0x0  }
0x75: {  	[sflag:s24] =	ssyncadd.s32 @!p1 $0xFFFFC000  }
0x76: {  	[spmem:s2] =	stream.indirect.scatter.add.f32 @!p1 [tilespmem:s26], [sflag:$0x1], $0x80, s25, s25, $0xb8;
	[tilespmem:$0x1E180] =	vst v63  }
0x77: {  	_ =	swait.ge @!p1 [sflag:s24], $0x4000  }
0x78: {  	[sflag:s24] =	ssyncset.done @!p1 $0x0  }
0x79: {  	s28 =	sshll.u32 s4, $0x6;
	[sflag:s24] =	ssyncadd.s32 @!p1 $0xFFFFC000  }
0x7a: {  	s29 =	sshrl.u32 s5, $0x3;
	s23 =	sor.u32 $0x1C01, s28;
	[bflag:$0x0] =	sbarrier.arrive $0xFFFF  }
0x7b: {  	[hbm:s19], [sflag:s23] =	dma.local [spmem:s29], $0xD00  }
0x7c: {  	_ =	swait.ge [sflag:s16], $0xD00  }
0x7d: {  	[sflag:s16] =	ssyncset.done $0x0  }
0x7e: {  	s30 =	sshrl.u32 s6, $0x3;
	[sflag:s16] =	ssyncadd.s32 $0xFFFFF300  }
0x7f: {  	[hbm:s20], [sflag:s23] =	dma.local [spmem:s30], $0xD00  }
0x80: {  	_ =	swait.ge [sflag:s16], $0xD00  }
0x81: {  	[sflag:s16] =	ssyncset.done $0x0  }
0x82: {  	s31 =	sshrl.u32 s7, $0x3;
	[sflag:s16] =	ssyncadd.s32 $0xFFFFF300  }
0x83: {  	[hbm:s21], [sflag:s23] =	dma.local [spmem:s31], $0xD00  }
0x84: {  	s22 =	sadd.s32 $0x1, s22;
	_ =	swait.ge [sflag:s16], $0xD00  }
0x85: {  	p2 =	sne.s32 s22, s12;
	[sflag:s16] =	ssyncset.done $0x0  }
0x86: {  	s25 =	sshrl.u32 @!p0 s8, $0x3;
	s24 =	sadd.s32 @!p0 $0x27000, s11;
	[sflag:s16] =	ssyncadd.s32 $0xFFFFF300  }
0x87: {  	[hbm:s24], [sflag:s23] =	dma.local @!p0 [spmem:s25], $0x100  }
.Ltmp2:
0x88: {  	_ = 	snop;
	(pc) =	sbr.rel @p2 .LBB2_1-.Ltmp2, $4  }
0x89: {  	s23 =	simm.s32 @!p0 $0x1  }
0x8a: {  	_ =	swait.ge @!p0 [sflag:s23], $0x100  }
0x8b: {  	[sflag:s23] =	ssyncset.done @!p0 $0x0  }
0x8c: {  	[sflag:s23] =	ssyncadd.s32 @!p0 $0xFFFFFF00  }
0x8d: {  	_ =	sfence.sel $0x180000  }
0x8e: {  	[bflag:$0x0] =	sbarrier.arrive $0xFFFF  }
0x8f: {  	p0 =	sne.s32 s4, $0x0;
	_ =	strace $0x90000047  }
0x90: {  	s0 =	sadd.s32 @!p0 $0x100000, s0;
	[bflag:$0x2] =	sbarrier.arrive $0xFFFF  }
0x91: {  	[sflag:s0] =	ssyncadd.tile.s32 @!p0 $0x1;
	_ =	shalt  }
.Lfunc_end2:
_tile_overlayer_lowered:
.L_overlay_start_2:
0x92: {  	(tag) =	ssettag $0x2  }
0x93: {  	s0 =	rddreg [dreg:$0x0];
	s2 =	stileid.u32  }
0x94: {  	s1 =	rddreg [dreg:$0x1];
	p0 =	sne.s32 s2, $0x0  }
0x95: {  	s3 =	rddreg [dreg:$0x2];
	[bflag:$0x3] =	sbarrier.arrive $0xFFFF;
	s2 =	simm.s32 @!p0 $0x1C01  }
0x96: {  	[timem:s3], [sflag:s2] =	dma.local @!p0 [hbm:s0], s1  }
0x97: {  	s0 =	simm.s32 @!p0 $0x1  }
0x98: {  	_ =	swait.ge @!p0 [sflag:s0], s1  }
0x99: {  	s1 =	ssub.s32 @!p0 $0x0, s1;
	[sflag:s0] =	ssyncset.done @!p0 $0x0  }
0x9a: {  	[sflag:s0] =	ssyncadd.s32 @!p0 s1  }
0x9b: {  	[bflag:$0x3] =	sbarrier.arrive $0xFFFF  }
0x9c: {  	_ =	shalt  }

// kernel: kernel.9.cloned.1.call-start
scs
__scs_entry_jumppad:
0x0: {  	(pc) =	sbr.rel $0x88, $3  }
0x1: {  	(tag) =	ssettag $0x0;
	lr =	simm.s32 $0x1  }
0x2: {  	[smem:$0x3F96] =	sst lr;
	_ =	strace $0xD0000000  }
0x3: {  	_ = 	snop  }
0x4: {  	_ = 	snop  }
0x5: {  	_ = 	snop  }
0x6: {  	_ = 	snop  }
0x7: {  	_ = 	snop  }
__scs_overlays_trampoline_lowered:
0x8: {  	[smem:$0x3FA5] =	sst s0  }
0x9: {  	[smem:$0x3FA6] =	sst s1  }
0xa: {  	[smem:$0x3FA7] =	sst s2  }
0xb: {  	[smem:$0x3FA8] =	sst s3  }
0xc: {  	[smem:$0x3FA9] =	sst s4  }
0xd: {  	[smem:$0x3FAA] =	sst s5  }
0xe: {  	[smem:$0x3FAB] =	sst s6  }
0xf: {  	[smem:$0x3FAC] =	sst s7  }
0x10: {  	[smem:$0x3FAD] =	sst s8  }
0x11: {  	[smem:$0x3FAE] =	sst s9;
	s0 =	simm.s32 @!p0 $0x0  }
0x12: {  	s1 =	sld [smem:$0x3F94];
	s0 =	simm.s32 @p0 $0x1  }
0x13: {  	[smem:$0x3FAF] =	sst s0;
	s0 =	simm.s32 @!p1 $0x0  }
0x14: {  	s2 =	sld [smem:$0x3F93];
	s0 =	simm.s32 @p1 $0x1  }
0x15: {  	[smem:$0x3FB0] =	sst s0;
	s0 =	simm.s32 @!p2 $0x0  }
0x16: {  	s3 =	sld [smem:$0x3FDB];
	s0 =	simm.s32 @p2 $0x1  }
0x17: {  	s4 =	simm.s32 $0x1BF5;
	[smem:$0x3FB2] =	sst s0  }
0x18: {  	s0 =	sld [smem:$0x3F95];
	_ =	swait.ge [sflag:s4], $0x0  }
0x19: {  	s7 =	sld [smem:$0x3F96]  }
0x1a: {  	s8 =	sadd.s32 $0xFFFFE003, lr  }
0x1b: {  	s9 =	sadd.s32 $0xFFFFFEF7, lr;
	s5 =	simm.s32 $0xFFFFFFFF;
	p2 =	slt.u32 s8, $0xFFFFF086  }
0x1c: {  	p1 =	slt.u32 s9, $0xF7A;
	s5 =	simm.s32 @!p2 $0x0  }
0x1d: {  	s5 =	simm.s32 @p1 $0x1;
	p0 =	seq.s32 s7, s2  }
0x1e: {  	s7 =	smul.u32 @!p0 $0xF7A, s2;
	p2 =	seq.s32 @!p0 s5, $0x0  }
0x1f: {  	s9 =	smul.u32 $0xF7A, s1;
	s8 =	simm.s32 @!p0 $0x1BF5;
	p2 =	por !p2, p0  }
0x20: {  	[sflag:s8] =	ssyncset.s32 @!p0 $0xFFFFF086;
	s6 =	sadd.s32 @!p0 s3, s7;
	s7 =	simm.s32 @!p0 $0x108  }
0x21: {  	s3 =	sadd.s32 s3, s9;
	s6 =	sadd.s32 @!p0 $0x88, s6;
	s7 =	simm.s32 @p2 $0x1082  }
0x22: {  	[simem:s7], [sflag:s8] =	dma.local @!p0 [hbm:s6], $0xF7A  }
0x23: {  	s9 =	sor.u32 $0xD0000000, s2;
	s6 =	simm.s32 $0x108;
	_ =	swait.ge @!p0 [sflag:s8], $0x0  }
0x24: {  	s3 =	sadd.s32 $0x88, s3;
	s6 =	simm.s32 @!p1 $0x1082;
	[sflag:s4] =	ssyncset.s32 $0xFFFFF086  }
0x25: {  	[simem:s6], [sflag:s4] =	dma.local [hbm:s3], $0xF7A  }
0x26: {  	[smem:$0x3F96] =	sst s1;
	(tag) =	ssettag s2;
	_ =	strace s9  }
0x27: {  	s1 =	sld [smem:$0x3FA6]  }
0x28: {  	s2 =	sld [smem:$0x3FA7]  }
0x29: {  	s4 =	sld [smem:$0x3FA9]  }
0x2a: {  	p0 =	seq.s32 s5, $0x0;
	s5 =	sld [smem:$0x3FAA]  }
0x2b: {  	s6 =	sld [smem:$0x3FAB]  }
0x2c: {  	s7 =	sld [smem:$0x3FAC]  }
0x2d: {  	s3 =	simm.s32 $0x108;
	s8 =	sld [smem:$0x3FAD]  }
0x2e: {  	s3 =	simm.s32 @!p0 $0x1082;
	s9 =	sld [smem:$0x3FAE]  }
0x2f: {  	lr =	sadd.s32 s0, s3;
	s0 =	sld [smem:$0x3FA5]  }
0x30: {  	s3 =	sld [smem:$0x3FA8]  }
0x31: {  	[smem:$0x3FB1] =	sst s10  }
0x32: {  	s10 =	sld [smem:$0x3FAF];
	_ =	sdelay $0x3  }
0x33: {  	p0 =	seq.s32 s10, $0x1;
	s10 =	sld [smem:$0x3FB1];
	_ =	sdelay $0x3  }
0x34: {  	[smem:$0x3FB1] =	sst s10  }
0x35: {  	s10 =	sld [smem:$0x3FB0];
	_ =	sdelay $0x3  }
0x36: {  	p1 =	seq.s32 s10, $0x1;
	s10 =	sld [smem:$0x3FB1];
	_ =	sdelay $0x3  }
0x37: {  	[smem:$0x3FB1] =	sst s10  }
0x38: {  	s10 =	sld [smem:$0x3FB2]  }
0x39: {  	_ = 	snop;
	(pc) =	sbr.ind lr, $3  }
0x3a: {  	_ = 	snop  }
0x3b: {  	_ = 	snop  }
0x3c: {  	p2 =	seq.s32 s10, $0x1;
	s10 =	sld [smem:$0x3FB1]  }
0x3d: {  	_ =	shalt  }
0x3e: {  	_ =	shalt  }
0x3f: {  	_ =	shalt  }
0x40: {  	_ =	shalt  }
0x41: {  	_ =	shalt  }
0x42: {  	_ =	shalt  }
0x43: {  	_ =	shalt  }
0x44: {  	_ =	shalt  }
0x45: {  	_ =	shalt  }
0x46: {  	_ =	shalt  }
0x47: {  	_ =	shalt  }
0x48: {  	_ =	shalt  }
0x49: {  	_ =	shalt  }
0x4a: {  	_ =	shalt  }
0x4b: {  	_ =	shalt  }
0x4c: {  	_ =	shalt  }
0x4d: {  	_ =	shalt  }
0x4e: {  	_ =	shalt  }
0x4f: {  	_ =	shalt  }
0x50: {  	_ =	shalt  }
0x51: {  	_ =	shalt  }
0x52: {  	_ =	shalt  }
0x53: {  	_ =	shalt  }
0x54: {  	_ =	shalt  }
0x55: {  	_ =	shalt  }
0x56: {  	_ =	shalt  }
0x57: {  	_ =	shalt  }
0x58: {  	_ =	shalt  }
0x59: {  	_ =	shalt  }
0x5a: {  	_ =	shalt  }
0x5b: {  	_ =	shalt  }
0x5c: {  	_ =	shalt  }
0x5d: {  	_ =	shalt  }
0x5e: {  	_ =	shalt  }
0x5f: {  	_ =	shalt  }
0x60: {  	_ =	shalt  }
0x61: {  	_ =	shalt  }
0x62: {  	_ =	shalt  }
0x63: {  	_ =	shalt  }
0x64: {  	_ =	shalt  }
0x65: {  	_ =	shalt  }
0x66: {  	_ =	shalt  }
0x67: {  	_ =	shalt  }
0x68: {  	_ =	shalt  }
0x69: {  	_ =	shalt  }
0x6a: {  	_ =	shalt  }
0x6b: {  	_ =	shalt  }
0x6c: {  	_ =	shalt  }
0x6d: {  	_ =	shalt  }
0x6e: {  	_ =	shalt  }
0x6f: {  	_ =	shalt  }
0x70: {  	_ =	shalt  }
0x71: {  	_ =	shalt  }
0x72: {  	_ =	shalt  }
0x73: {  	_ =	shalt  }
0x74: {  	_ =	shalt  }
0x75: {  	_ =	shalt  }
0x76: {  	_ =	shalt  }
0x77: {  	_ =	shalt  }
0x78: {  	_ =	shalt  }
0x79: {  	_ =	shalt  }
0x7a: {  	_ =	shalt  }
0x7b: {  	_ =	shalt  }
0x7c: {  	_ =	shalt  }
0x7d: {  	_ =	shalt  }
0x7e: {  	_ =	shalt  }
0x7f: {  	_ =	shalt  }
0x80: {  	_ =	shalt  }
0x81: {  	_ =	shalt  }
0x82: {  	_ =	shalt  }
0x83: {  	_ =	shalt  }
0x84: {  	_ =	shalt  }
0x85: {  	_ =	shalt  }
0x86: {  	_ =	shalt  }
0x87: {  	_ =	shalt  }
.Lfunc_end0:
.L_simem_size_0:
called_computation.1_lowered:
.L_overlay_start_0:
0x88: {  	s2 =	sld [smem:$0x3FD9]  }
0x89: {  	s3 =	sld [smem:$0x3FFE];
	_ =	sdelay $0x1  }
0x8a: {  	s1 =	srdreg.scid  }
0x8b: {  	s0 =	sand.u32 $0x1, s1  }
0x8c: {  	s17 =	sshll.u32 s0, $0xA;
	s2 =	sadd.s32 s3, s2  }
0x8d: {  	s2 =	sadd.s32 s2, s17  }
0x8e: {  	[smem:$0x3FBD] =	sst s2  }
0x8f: {  	_ = 	snop  }
0x90: {  	s2 =	sld [smem:$0x3FC6];
	(tm) =	ssettm $0x1  }
0x91: {  	s18 =	sld [smem:$0x3FFB];
	_ =	sdelay $0x3  }
0x92: {  	_ =	strace s18  }
0x93: {  	s3 =	sld [smem:$0x3FFC];
	_ =	sdelay $0x3  }
0x94: {  	_ =	strace s3  }
0x95: {  	s3 =	sld [smem:$0x3FFD];
	_ =	sdelay $0x3  }
0x96: {  	_ =	strace s3  }
0x97: {  	_ =	strace $0x8FFFFFFF  }
0x98: {  	s19 =	sld [smem:$0x3FDB];
	_ =	sdelay $0x1  }
0x99: {  	s4 =	simm.s32 $_scs_section_size  }
0x9a: {  	s5 =	simm.s32 $_size__tile_overlayer_lowered;
	s6 =	simm.s32 $_tile_overlayer_lowered  }
0x9b: {  	s22 =	simm.s32 $0x1BFF;
	s21 =	sshll.u32 s6, $0x1;
	s3 =	sadd.s32 s4, s19  }
0x9c: {  	s7 =	simm.s32 $0x0;
	s20 =	sshll.u32 s5, $0x1;
	s5 =	sadd.s32 s21, s3  }
0x9d: {  	[timem:s7], [sflag:s22] =	dma.local [hbm:s5], s20  }
0x9e: {  	_ =	swait.ge [sflag:s22], s20  }
0x9f: {  	s4 =	ssub.s32 $0x0, s20;
	[sflag:s22] =	ssyncset.done $0x0  }
0xa0: {  	[sflag:s22] =	ssyncadd.s32 s4;
	_ =	sdelay $0x1  }
0xa1: {  	s23 =	simm.s32 $0x1B8B  }
0xa2: {  	_ =	swait.ge [sflag:s23], $0x1  }
0xa3: {  	[sflag:s23] =	ssyncset.done $0x0  }
0xa4: {  	s25 =	simm.s32 $0x1B8E;
	s24 =	sld [smem:$0x3FFE];
	[sflag:s23] =	ssyncadd.s32 $0xFFFFFFFF  }
0xa5: {  	s26 =	simm.s32 $execute0_lowered;
	[smem:$0x3FD2] =	sst s25  }
0xa6: {  	s5 =	sshll.u32 s26, $0x1;
	_ =	strace $0x80000049;
	[dreg:$0x1] =	wrdreg $0xFFFFFFFF  }
0xa7: {  	s28 =	simm.s32 $_size_execute0_lowered;
	s3 =	sadd.s32 s3, s5;
	[dreg:$0x0] =	wrdreg $0x0  }
0xa8: {  	s5 =	sshll.u32 s28, $0x1;
	[dreg:$0x2] =	wrdreg s3  }
0xa9: {  	[dreg:$0x3] =	wrdreg s5  }
0xaa: {  	[dreg:$0x4] =	wrdreg $0xC0  }
0xab: {  	_ =	task [dreg:s7], $0x5FFFF  }
0xac: {  	[dreg:$0x1] =	wrdreg $0xFFFFFFFF  }
0xad: {  	[dreg:$0x0] =	wrdreg $0x60  }
0xae: {  	[dreg:$0x2] =	wrdreg s24  }
0xaf: {  	[dreg:$0x3] =	wrdreg s2  }
0xb0: {  	[dreg:$0x4] =	wrdreg $0x9  }
0xb1: {  	_ =	task.clear_ibuf [dreg:s7], $0x5FFFF;
	_ =	strace $0x90000049  }
0xb2: {  	s29 =	simm.s32 $0x9;
	_ =	strace $0x8000004B  }
0xb3: {  	_ =	swait.ge [sflag:s29], $0x1  }
0xb4: {  	[sflag:s29] =	ssyncadd.s32 $0xFFFFFFFF  }
0xb5: {  	_ =	strace $0x9000004B  }
0xb6: {  	_ =	sfence  }
0xb7: {  	s30 =	sld [smem:$0x0];
	_ =	sdelay $0x2  }
0xb8: {  	s31 =	sshll.u32 s1, $0xD;
	s1 =	sshrl.u32 s1, $0x2  }
0xb9: {  	s3 =	sand.u32 $0x4000, s31;
	s1 =	sadd.s32 s1, s30  }
0xba: {  	s0 =	sor.u32 s3, s0;
	s1 =	sshll.u32 s1, $0x11  }
0xbb: {  	s0 =	sor.u32 s1, s0  }
0xbc: {  	s0 =	sadd.s32 $0x8F2B, s0  }
0xbd: {  	[sflag:s0] =	ssyncadd.remote.s32 $0x1  }
0xbe: {  	_ =	sfence.sel $0xFFFF  }
0xbf: {  	[dreg:$0x0] =	wrdreg $0xFFFFFFFF;
	(pc) =	sbr.abs _section_cstart, $3  }
0xc0: {  	[dreg:$0x1] =	wrdreg $0xFFFFFFFF  }
0xc1: {  	_ =	task.clear_ibuf [dreg:s7], $0x2FFFF;
	_ =	strace $0x9FFFFFFF  }
0xc2: {  	(tm) =	ssettm $0x7FFFFFFF  }
0xc3: {  	_ =	shalt  }
tec
execute0_lowered:
.L_overlay_start_1:
0x0: {  	(tag) =	ssettag $0x1  }
0x1: {  	s7 =	rddreg [dreg:$0x0]  }
0x2: {  	s0 =	srdreg.scid;
	s2 =	rddreg [dreg:$0x1];
	s3 =	simm.s32 $0x0  }
0x3: {  	s4 =	simm.s32 $0x1;
	s14 =	simm.s32 $0x0;
	s6 =	sand.u32 $0x1, s0  }
0x4: {  	s0 =	stileid.u32;
	[smem:$0x7FF] =	sst s3;
	s1 =	sshll.u32 s6, $0x4  }
0x5: {  	s30 =	sand.u32 $0x1, s0;
	s31 =	sshll.u32 s0, $0x8;
	s8 =	sor.u32 s0, s1  }
0x6: {  	s6 =	ssub.s32 $0x2, s6;
	p1 =	seq.s32 s30, $0x1;
	p0 =	seq.s32 s8, $0x0  }
0x7: {  	s1 =	rddreg [dreg:$0x2];
	_ =	strace $0x8000004A;
	p0 =	por !p0, !p1  }
0x8: {  	s10 =	sand.u32 $0x100, s31;
	s12 =	sshrl.u32 s6, $0x1;
	p0 =	por !p0, !p0  }
0x9: {  	s5 =	sshrl.u32 s8, $0x1;
	s8 =	sshll.u32 s8, $0x4;
	s4 =	simm.s32 @!p0 $0x0  }
0xa: {  	s12 =	ssub.s32 s6, s12;
	s6 =	sxor.u32 $0xFFFFFFFF, s10;
	s9 =	ssub.s32 s5, s4  }
.Ltmp0:
0xb: {  	s13 =	sadd.s32 s8, s7;
	s11 =	sshll.u32 s9, $0x9;
	(pc) =	sbr.rel .LBB2_1-.Ltmp0, $4  }
0xc: {  	s4 =	sadd.s32 $0x1E00, s7;
	s5 =	simm.s32 $0x1;
	s11 =	sor.u32 s10, s11  }
0xd: {  	v0 =	vmov s9;
	s9 =	sadd.s32 $0x29000, s13;
	s13 =	simm.s32 $0x80;
	s11 =	sshrl.u32 s11, $0x3  }
0xe: {  	v1 =	vlaneseq.u32;
	s10 =	smax.u32 s12, $0x1;
	s12 =	simm.s32 $0x4080;
	s11 =	sadd.s32 s11, s7  }
0xf: {  	vm0 =	veq.s32 v0, v1;
	v0 =	vimm.f32 $0.0e+00;
	s7 =	sadd.s32 $0x63C00, s11;
	s8 =	sadd.s32 $0x63C10, s11;
	s11 =	simm.s32 $0x4100  }
.LBB2_8:
0x10: {  	s14 =	sadd.s32 $0x1, s14  }
0x11: {  	p0 =	sne.s32 s14, s10  }
.Ltmp1:
0x12: {  	_ = 	snop;
	(pc) =	sbr.rel @!p0 .LBB2_9-.Ltmp1, $4  }
0x13: {  	[hbm4b:s9+s3] =	stream.linear.scatter [tilespmem:s12], [sflag:$0x1], $0x80, $0x38;
	[tilespmem:$0x4180] =	vst v63  }
0x14: {  	_ =	swait.ge [sflag:s5], $0x80  }
0x15: {  	[sflag:s5] =	ssyncset.done $0x0  }
0x16: {  	[sflag:s5] =	ssyncadd.s32 $0xFFFFFF80  }
.LBB2_1:
0x17: {  	[tilespmem:s11], [sflag:$0x1] =	stream.linear.gather [hbm4b:s2+s3], $0x80, $0x38;
	[tilespmem:$0x4180] =	vst v63  }
0x18: {  	_ =	swait.ge [sflag:s5], $0x80  }
0x19: {  	[sflag:s5] =	ssyncset.done $0x0  }
0x1a: {  	[sflag:s5] =	ssyncadd.s32 $0xFFFFFF80  }
0x1b: {  	v1 =	vld [tilespmem:$0x4100];
	_ =	sdelay $0x4  }
0x1c: {  	v1 =	vnsel vm0, $0x0, v1  }
0x1d: {  	(xrf0) =	vadd.scan.msk.s32 $0xffff, v1;
	_ =	sdelay $0x5  }
0x1e: {  	v1, _, _ =	vpop (xrf0)  }
0x1f: {  	(v2sf) =	vpush v1, $0xF;
	_ =	sdelay $0xe  }
0x20: {  	[tilespmem:$0x4080] =	vst v0;
	s15 =	spop (v2sf)  }
0x21: {  	[tilespmem:$0x4090] =	vst v0;
	s16 =	sadd.s32 s6, s15  }
0x22: {  	[tilespmem:$0x40A0] =	vst v0;
	p0 =	slt.s32 s16, $0x1  }
.Ltmp2:
0x23: {  	[tilespmem:$0x40B0] =	vst v0;
	(pc) =	sbr.rel @p0 .LBB2_8-.Ltmp2, $4  }
0x24: {  	[tilespmem:$0x40C0] =	vst v0  }
0x25: {  	[tilespmem:$0x40D0] =	vst v0  }
0x26: {  	[tilespmem:$0x40E0] =	vst v0  }
0x27: {  	[tilespmem:$0x40F0] =	vst v0  }
0x28: {  	s15 =	simm.s32 $0x0  }
0x29: {  	[tilespmem:s15], [sflag:$0x1] =	stream.linear.gather [hbm4b:s7+s15], $0x80, $0x38;
	[tilespmem:$0x4180] =	vst v63  }
0x2a: {  	_ =	swait.ge [sflag:s5], $0x80  }
0x2b: {  	[sflag:s5] =	ssyncset.done $0x0  }
0x2c: {  	[sflag:s5] =	ssyncadd.s32 $0xFFFFFF80  }
0x2d: {  	[tilespmem:s13], [sflag:$0x1] =	stream.indirect.gather [hbm4b:s4+s13], $0x80, s15, s13, $0xb8;
	[tilespmem:$0x4180] =	vst v63  }
0x2e: {  	_ =	swait.ge [sflag:s5], $0x4000  }
0x2f: {  	[sflag:s5] =	ssyncset.done $0x0  }
0x30: {  	p0 =	sle.s32 s16, $0x0;
	[sflag:s5] =	ssyncadd.s32 $0xFFFFC000  }
0x31: {  	s17 =	simm.s32 $0xC0;
	v1 =	vld @!p0 [tilespmem:$0x4080];
	p0 =	por p0, p0  }
0x32: {  	v2 =	vld @!p0 [tilespmem:s17+$0xFFFFFFC0];
	_ =	sdelay $0x4  }
0x33: {  	v1 =	vadd.f32 @!p0 v2, v1;
	_ =	sdelay $0x1  }
0x34: {  	[tilespmem:$0x4080] =	vst @!p0 v1;
	v1 =	vld @!p0 [tilespmem:$0x4090]  }
0x35: {  	v2 =	vld @!p0 [tilespmem:s17+$0xFFFFFFD0];
	_ =	sdelay $0x4  }
0x36: {  	v1 =	vadd.f32 @!p0 v2, v1;
	_ =	sdelay $0x1  }
0x37: {  	[tilespmem:$0x4090] =	vst @!p0 v1;
	v1 =	vld @!p0 [tilespmem:$0x40A0]  }
0x38: {  	v2 =	vld @!p0 [tilespmem:s17+$0xFFFFFFE0];
	_ =	sdelay $0x4  }
0x39: {  	v1 =	vadd.f32 @!p0 v2, v1;
	_ =	sdelay $0x1  }
0x3a: {  	[tilespmem:$0x40A0] =	vst @!p0 v1;
	v1 =	vld @!p0 [tilespmem:$0x40B0]  }
0x3b: {  	v2 =	vld @!p0 [tilespmem:s17+$0xFFFFFFF0];
	_ =	sdelay $0x4  }
0x3c: {  	v1 =	vadd.f32 @!p0 v2, v1;
	_ =	sdelay $0x1  }
0x3d: {  	[tilespmem:$0x40B0] =	vst @!p0 v1;
	v1 =	vld @!p0 [tilespmem:$0x40C0]  }
0x3e: {  	v2 =	vld @!p0 [tilespmem:s17+$0x0];
	_ =	sdelay $0x4  }
0x3f: {  	v1 =	vadd.f32 @!p0 v2, v1;
	_ =	sdelay $0x1  }
0x40: {  	[tilespmem:$0x40C0] =	vst @!p0 v1;
	v1 =	vld @!p0 [tilespmem:$0x40D0]  }
0x41: {  	v2 =	vld @!p0 [tilespmem:s17+$0x10];
	_ =	sdelay $0x4  }
0x42: {  	v1 =	vadd.f32 @!p0 v2, v1;
	_ =	sdelay $0x1  }
0x43: {  	[tilespmem:$0x40D0] =	vst @!p0 v1;
	v1 =	vld @!p0 [tilespmem:$0x40E0]  }
0x44: {  	v2 =	vld @!p0 [tilespmem:s17+$0x20];
	_ =	sdelay $0x4  }
0x45: {  	v1 =	vadd.f32 @!p0 v2, v1;
	_ =	sdelay $0x1  }
0x46: {  	[tilespmem:$0x40E0] =	vst @!p0 v1;
	v1 =	vld @!p0 [tilespmem:$0x40F0]  }
0x47: {  	v2 =	vld @!p0 [tilespmem:s17+$0x30];
	_ =	sdelay $0x2  }
0x48: {  	p1 =	sgt.s32 s16, $0x0;
	s15 =	smov.u32 s16  }
0x49: {  	s15 =	simm.s32 @!p1 $0x0  }
0x4a: {  	s18 =	simm.s32 $0x1;
	s15 =	smin.u32 s15, $0x100;
	v1 =	vadd.f32 @!p0 v2, v1  }
.LBB2_3:
0x4b: {  	p1 =	sle.s32 s16, s18  }
0x4c: {  	s18 =	sadd.s32 $0x1, s18;
	s17 =	sadd.s32 $0x80, s17;
	v2 =	vld @!p1 [tilespmem:$0x4080];
	[tilespmem:$0x40F0] =	vst @!p0 v1;
	p0 =	por p1, p1  }
0x4d: {  	p1 =	sne.s32 s18, $0x80;
	v1 =	vld @!p0 [tilespmem:s17+$0xFFFFFFC0];
	_ =	sdelay $0x4  }
0x4e: {  	v1 =	vadd.f32 @!p0 v1, v2;
	_ =	sdelay $0x1  }
0x4f: {  	[tilespmem:$0x4080] =	vst @!p0 v1;
	v1 =	vld @!p0 [tilespmem:$0x4090]  }
0x50: {  	v2 =	vld @!p0 [tilespmem:s17+$0xFFFFFFD0];
	_ =	sdelay $0x4  }
0x51: {  	v1 =	vadd.f32 @!p0 v2, v1;
	_ =	sdelay $0x1  }
0x52: {  	[tilespmem:$0x4090] =	vst @!p0 v1;
	v1 =	vld @!p0 [tilespmem:$0x40A0]  }
0x53: {  	v2 =	vld @!p0 [tilespmem:s17+$0xFFFFFFE0];
	_ =	sdelay $0x4  }
0x54: {  	v1 =	vadd.f32 @!p0 v2, v1;
	_ =	sdelay $0x1  }
0x55: {  	[tilespmem:$0x40A0] =	vst @!p0 v1;
	v1 =	vld @!p0 [tilespmem:$0x40B0]  }
0x56: {  	v2 =	vld @!p0 [tilespmem:s17+$0xFFFFFFF0];
	_ =	sdelay $0x4  }
0x57: {  	v1 =	vadd.f32 @!p0 v2, v1;
	_ =	sdelay $0x1  }
0x58: {  	[tilespmem:$0x40B0] =	vst @!p0 v1;
	v1 =	vld @!p0 [tilespmem:$0x40C0]  }
0x59: {  	v2 =	vld @!p0 [tilespmem:s17+$0x0];
	_ =	sdelay $0x4  }
0x5a: {  	v1 =	vadd.f32 @!p0 v2, v1;
	_ =	sdelay $0x1  }
0x5b: {  	[tilespmem:$0x40C0] =	vst @!p0 v1;
	v1 =	vld @!p0 [tilespmem:$0x40D0]  }
0x5c: {  	v2 =	vld @!p0 [tilespmem:s17+$0x10];
	_ =	sdelay $0x4  }
0x5d: {  	v1 =	vadd.f32 @!p0 v2, v1;
	_ =	sdelay $0x1  }
0x5e: {  	[tilespmem:$0x40D0] =	vst @!p0 v1;
	v1 =	vld @!p0 [tilespmem:$0x40E0]  }
0x5f: {  	v2 =	vld @!p0 [tilespmem:s17+$0x20];
	_ =	sdelay $0x4  }
0x60: {  	v1 =	vadd.f32 @!p0 v2, v1;
	_ =	sdelay $0x1  }
0x61: {  	[tilespmem:$0x40E0] =	vst @!p0 v1;
	v1 =	vld @!p0 [tilespmem:$0x40F0]  }
0x62: {  	v2 =	vld @!p0 [tilespmem:s17+$0x30]  }
.Ltmp3:
0x63: {  	(pc) =	sbr.rel @p1 .LBB2_3-.Ltmp3, $2  }
0x64: {  	_ =	sdelay $0x2  }
0x65: {  	v1 =	vadd.f32 @!p0 v2, v1  }
0x66: {  	p1 =	slt.s32 s16, $0x81  }
.Ltmp4:
0x67: {  	_ = 	snop;
	(pc) =	sbr.rel @p1 .LBB2_8-.Ltmp4, $2  }
0x68: {  	_ =	sdelay $0x2  }
0x69: {  	[tilespmem:$0x40F0] =	vst @!p0 v1  }
0x6a: {  	[tilespmem:s3], [sflag:$0x1] =	stream.linear.gather [hbm4b:s8+s3], $0x80, $0x38;
	[tilespmem:$0x4180] =	vst v63  }
0x6b: {  	_ =	swait.ge [sflag:s5], $0x80  }
0x6c: {  	[sflag:s5] =	ssyncset.done $0x0  }
0x6d: {  	s16 =	simm.s32 $0x80;
	[sflag:s5] =	ssyncadd.s32 $0xFFFFFF80  }
0x6e: {  	[tilespmem:s16], [sflag:$0x1] =	stream.indirect.gather [hbm4b:s4+s16], $0x80, s3, s16, $0xb8;
	[tilespmem:$0x4180] =	vst v63  }
0x6f: {  	_ =	swait.ge [sflag:s5], $0x4000  }
0x70: {  	[sflag:s5] =	ssyncset.done $0x0  }
0x71: {  	p0 =	sle.u32 s15, $0x80;
	[sflag:s5] =	ssyncadd.s32 $0xFFFFC000  }
0x72: {  	s16 =	simm.s32 $0xC0;
	v1 =	vld @!p0 [tilespmem:$0x4080];
	p0 =	por p0, p0  }
0x73: {  	v2 =	vld @!p0 [tilespmem:s16+$0xFFFFFFC0];
	_ =	sdelay $0x4  }
0x74: {  	v1 =	vadd.f32 @!p0 v2, v1;
	_ =	sdelay $0x1  }
0x75: {  	[tilespmem:$0x4080] =	vst @!p0 v1;
	v1 =	vld @!p0 [tilespmem:$0x4090]  }
0x76: {  	v2 =	vld @!p0 [tilespmem:s16+$0xFFFFFFD0];
	_ =	sdelay $0x4  }
0x77: {  	v1 =	vadd.f32 @!p0 v2, v1;
	_ =	sdelay $0x1  }
0x78: {  	[tilespmem:$0x4090] =	vst @!p0 v1;
	v1 =	vld @!p0 [tilespmem:$0x40A0]  }
0x79: {  	v2 =	vld @!p0 [tilespmem:s16+$0xFFFFFFE0];
	_ =	sdelay $0x4  }
0x7a: {  	v1 =	vadd.f32 @!p0 v2, v1;
	_ =	sdelay $0x1  }
0x7b: {  	[tilespmem:$0x40A0] =	vst @!p0 v1;
	v1 =	vld @!p0 [tilespmem:$0x40B0]  }
0x7c: {  	v2 =	vld @!p0 [tilespmem:s16+$0xFFFFFFF0];
	_ =	sdelay $0x4  }
0x7d: {  	v1 =	vadd.f32 @!p0 v2, v1;
	_ =	sdelay $0x1  }
0x7e: {  	[tilespmem:$0x40B0] =	vst @!p0 v1;
	v1 =	vld @!p0 [tilespmem:$0x40C0]  }
0x7f: {  	v2 =	vld @!p0 [tilespmem:s16+$0x0];
	_ =	sdelay $0x4  }
0x80: {  	v1 =	vadd.f32 @!p0 v2, v1;
	_ =	sdelay $0x1  }
0x81: {  	[tilespmem:$0x40C0] =	vst @!p0 v1;
	v1 =	vld @!p0 [tilespmem:$0x40D0]  }
0x82: {  	v2 =	vld @!p0 [tilespmem:s16+$0x10];
	_ =	sdelay $0x4  }
0x83: {  	v1 =	vadd.f32 @!p0 v2, v1;
	_ =	sdelay $0x1  }
0x84: {  	[tilespmem:$0x40D0] =	vst @!p0 v1;
	v1 =	vld @!p0 [tilespmem:$0x40E0]  }
0x85: {  	v2 =	vld @!p0 [tilespmem:s16+$0x20];
	_ =	sdelay $0x4  }
0x86: {  	v1 =	vadd.f32 @!p0 v2, v1;
	_ =	sdelay $0x1  }
0x87: {  	[tilespmem:$0x40E0] =	vst @!p0 v1;
	v1 =	vld @!p0 [tilespmem:$0x40F0]  }
0x88: {  	v2 =	vld @!p0 [tilespmem:s16+$0x30];
	_ =	sdelay $0x4  }
0x89: {  	s17 =	simm.s32 $0x81;
	v1 =	vadd.f32 @!p0 v2, v1  }
.LBB2_6:
0x8a: {  	p1 =	sge.u32 s17, s15  }
0x8b: {  	s17 =	sadd.s32 $0x1, s17;
	s16 =	sadd.s32 $0x80, s16;
	v2 =	vld @!p1 [tilespmem:$0x4080];
	[tilespmem:$0x40F0] =	vst @!p0 v1;
	p0 =	por p1, p1  }
0x8c: {  	p1 =	sne.s32 s17, $0x100;
	v1 =	vld @!p0 [tilespmem:s16+$0xFFFFFFC0];
	_ =	sdelay $0x4  }
0x8d: {  	v1 =	vadd.f32 @!p0 v1, v2;
	_ =	sdelay $0x1  }
0x8e: {  	[tilespmem:$0x4080] =	vst @!p0 v1;
	v1 =	vld @!p0 [tilespmem:$0x4090]  }
0x8f: {  	v2 =	vld @!p0 [tilespmem:s16+$0xFFFFFFD0];
	_ =	sdelay $0x4  }
0x90: {  	v1 =	vadd.f32 @!p0 v2, v1;
	_ =	sdelay $0x1  }
0x91: {  	[tilespmem:$0x4090] =	vst @!p0 v1;
	v1 =	vld @!p0 [tilespmem:$0x40A0]  }
0x92: {  	v2 =	vld @!p0 [tilespmem:s16+$0xFFFFFFE0];
	_ =	sdelay $0x4  }
0x93: {  	v1 =	vadd.f32 @!p0 v2, v1;
	_ =	sdelay $0x1  }
0x94: {  	[tilespmem:$0x40A0] =	vst @!p0 v1;
	v1 =	vld @!p0 [tilespmem:$0x40B0]  }
0x95: {  	v2 =	vld @!p0 [tilespmem:s16+$0xFFFFFFF0];
	_ =	sdelay $0x4  }
0x96: {  	v1 =	vadd.f32 @!p0 v2, v1;
	_ =	sdelay $0x1  }
0x97: {  	[tilespmem:$0x40B0] =	vst @!p0 v1;
	v1 =	vld @!p0 [tilespmem:$0x40C0]  }
0x98: {  	v2 =	vld @!p0 [tilespmem:s16+$0x0];
	_ =	sdelay $0x4  }
0x99: {  	v1 =	vadd.f32 @!p0 v2, v1;
	_ =	sdelay $0x1  }
0x9a: {  	[tilespmem:$0x40C0] =	vst @!p0 v1;
	v1 =	vld @!p0 [tilespmem:$0x40D0]  }
0x9b: {  	v2 =	vld @!p0 [tilespmem:s16+$0x10];
	_ =	sdelay $0x4  }
0x9c: {  	v1 =	vadd.f32 @!p0 v2, v1;
	_ =	sdelay $0x1  }
0x9d: {  	[tilespmem:$0x40D0] =	vst @!p0 v1;
	v1 =	vld @!p0 [tilespmem:$0x40E0]  }
0x9e: {  	v2 =	vld @!p0 [tilespmem:s16+$0x20];
	_ =	sdelay $0x4  }
0x9f: {  	v1 =	vadd.f32 @!p0 v2, v1;
	_ =	sdelay $0x1  }
0xa0: {  	[tilespmem:$0x40E0] =	vst @!p0 v1;
	v1 =	vld @!p0 [tilespmem:$0x40F0]  }
0xa1: {  	v2 =	vld @!p0 [tilespmem:s16+$0x30]  }
.Ltmp5:
0xa2: {  	(pc) =	sbr.rel @p1 .LBB2_6-.Ltmp5, $2  }
0xa3: {  	_ =	sdelay $0x2  }
0xa4: {  	v1 =	vadd.f32 @!p0 v2, v1  }
.Ltmp6:
0xa5: {  	(pc) =	sbr.rel .LBB2_8-.Ltmp6, $2  }
0xa6: {  	_ =	sdelay $0x2  }
0xa7: {  	[tilespmem:$0x40F0] =	vst @!p0 v1  }
.LBB2_9:
0xa8: {  	_ =	sfence.sel $0x180000  }
0xa9: {  	[bflag:$0x0] =	sbarrier.arrive $0xFFFF  }
0xaa: {  	p0 =	sne.s32 s0, $0x0;
	_ =	strace $0x9000004A  }
0xab: {  	s0 =	sadd.s32 @!p0 $0x100000, s1;
	[bflag:$0x2] =	sbarrier.arrive $0xFFFF  }
0xac: {  	[sflag:s0] =	ssyncadd.tile.s32 @!p0 $0x1;
	_ =	shalt  }
.Lfunc_end2:
_tile_overlayer_lowered:
.L_overlay_start_2:
0xad: {  	(tag) =	ssettag $0x2  }
0xae: {  	s0 =	rddreg [dreg:$0x0];
	s2 =	stileid.u32  }
0xaf: {  	s1 =	rddreg [dreg:$0x1];
	p0 =	sne.s32 s2, $0x0  }
0xb0: {  	s3 =	rddreg [dreg:$0x2];
	[bflag:$0x3] =	sbarrier.arrive $0xFFFF;
	s2 =	simm.s32 @!p0 $0x1C01  }
0xb1: {  	[timem:s3], [sflag:s2] =	dma.local @!p0 [hbm:s0], s1  }
0xb2: {  	s0 =	simm.s32 @!p0 $0x1  }
0xb3: {  	_ =	swait.ge @!p0 [sflag:s0], s1  }
0xb4: {  	s1 =	ssub.s32 @!p0 $0x0, s1;
	[sflag:s0] =	ssyncset.done @!p0 $0x0  }
0xb5: {  	[sflag:s0] =	ssyncadd.s32 @!p0 s1  }
0xb6: {  	[bflag:$0x3] =	sbarrier.arrive $0xFFFF  }
0xb7: {  	_ =	shalt  }

</sc_bundles>
